<compile_context>
chip_gen: v7x
topology: tpu7x:2x2x1
jax: 0.10.2.dev20260603
libtpu: 0.0.44.dev20260713+nightly
codegen_flags: <defaults>
</compile_context>

<pallas_src>
import functools

import jax
import jax.numpy as jnp
from jax import lax
from jax.experimental import pallas as pl
from jax.experimental.pallas import tpu as pltpu
from jax.experimental.pallas import tpu_sc as plsc

NC = 2
NS = 16
NW = NC * NS
LANES = 16

C_SEQ = 2
SUB = 100


def _positional_encoding(seq_len: int, d_model: int) -> jax.Array:
    pos = jnp.arange(seq_len, dtype=jnp.float32)[:, None]
    _2i = jnp.arange(0, d_model, 2, dtype=jnp.float32)
    enc = jnp.zeros((seq_len, d_model), dtype=jnp.float32)
    enc = enc.at[:, 0::2].set(jnp.sin(pos / (10000.0 ** (_2i / d_model))))
    enc = enc.at[:, 1::2].set(jnp.cos(pos / (10000.0 ** (_2i / d_model))))
    return enc


@functools.partial(jax.jit, static_argnames=("B", "S", "D"))
def _embed_sc(idx2d, table, enc, *, B, S, D):
    N = B * S
    R = C_SEQ * S
    KSUB = R // SUB
    rows_per_w = N // NW
    seqs_per_w = rows_per_w // S
    G = rows_per_w // R
    srows_per_w = rows_per_w // SUB

    mesh = plsc.VectorSubcoreMesh(core_axis_name="c", subcore_axis_name="s")

    @functools.partial(
        pl.kernel,
        mesh=mesh,
        compiler_params=pltpu.CompilerParams(use_tc_tiling_on_sc=False),
        out_type=jax.ShapeDtypeStruct((B, S, D), jnp.float32),
        scratch_types=[
            pltpu.VMEM((2, KSUB, SUB), jnp.int32),
            pltpu.VMEM((2, R, D), jnp.float32),
            pltpu.VMEM((2, C_SEQ, S, D), jnp.float32),
            pltpu.VMEM((S, D), jnp.float32),
            pltpu.SemaphoreType.DMA,
            pltpu.SemaphoreType.DMA,
            pltpu.SemaphoreType.DMA,
            pltpu.SemaphoreType.DMA,
        ],
    )
    def body(idx_hbm, table_hbm, enc_hbm, out_hbm, idx_v, gbuf_v, obuf_v,
             enc_v, gsem0, gsem1, osem0, osem1):
        wid = lax.axis_index("s") * NC + lax.axis_index("c")
        pltpu.sync_copy(enc_hbm, enc_v)
        gsems = (gsem0, gsem1)
        osems = (osem0, osem1)

        def gather_copies(g, p):
            srow0 = wid * srows_per_w + g * KSUB
            return [
                pltpu.make_async_copy(
                    table_hbm.at[idx_v.at[p, k]],
                    gbuf_v.at[p, pl.ds(k * SUB, SUB), :],
                    gsems[p],
                )
                for k in range(KSUB)
            ], srow0

        def start_chunk(g, p):
            cps, srow0 = gather_copies(g, p)
            pltpu.sync_copy(idx_hbm.at[pl.ds(srow0, KSUB), :], idx_v.at[p])
            for cp in cps:
                cp.start()

        def out_copy(g, p):
            b0 = wid * seqs_per_w + g * C_SEQ
            return pltpu.make_async_copy(
                obuf_v.at[p],
                out_hbm.at[pl.ds(b0, C_SEQ)],
                osems[p],
            )

        def process(g, p):
            gn = g + 1

            @pl.when(gn < G)
            def _():
                start_chunk(gn, 1 - p)

            cps, _ = gather_copies(g, p)
            for cp in cps:
                cp.wait()

            @pl.when(g >= 2)
            def _():
                out_copy(g - 2, p).wait()

            def add_row(s, c2):
                for d in range(D // LANES):
                    sl = pl.ds(d * LANES, LANES)
                    e = enc_v[s, sl]
                    for c in range(C_SEQ):
                        obuf_v[p, c, s, sl] = gbuf_v[p, c * S + s, sl] + e
                return c2

            lax.fori_loop(0, S, add_row, 0)
            out_copy(g, p).start()

        start_chunk(0, 0)

        def step(g2, carry):
            process(2 * g2, 0)
            process(2 * g2 + 1, 1)
            return carry

        lax.fori_loop(0, G // 2, step, 0)
        out_copy(G - 2, 0).wait()
        out_copy(G - 1, 1).wait()

    return body(idx2d, table, enc)


def kernel(x, table):
    B, S = x.shape
    _, D = table.shape
    idx2d = x.reshape(B * S // SUB, SUB)
    enc = _positional_encoding(S, D)
    return _embed_sc(idx2d, table, enc, B=B, S=S, D=D)

# --- scband reference (transcript-rebuilt; emitter-appended) ---
"""Pipeline reference for scband-transformer-embedding-torch-25271587569873 (READ-ONLY COPY).

The authoritative reference and input builder live on the scoring server;
editing this copy changes nothing except your own understanding.
"""

import jax, jax.numpy as jnp
import numpy as np

D_VOCAB = 100000
D_MODEL = 64
MAX_LEN = 512
BATCH = 4096
SEQ_LEN = 200


def make_encoding():
    pos = jnp.arange(MAX_LEN, dtype=jnp.float32)[:, None]
    _2i = jnp.arange(0, D_MODEL, 2, dtype=jnp.float32)
    enc = jnp.zeros((MAX_LEN, D_MODEL), dtype=jnp.float32)
    enc = enc.at[:, 0::2].set(jnp.sin(pos / (10000.0 ** (_2i / D_MODEL))))
    enc = enc.at[:, 1::2].set(jnp.cos(pos / (10000.0 ** (_2i / D_MODEL))))
    return enc


def setup_inputs(seed: int = 0) -> dict:
    key = jax.random.key(seed)
    k_x, k_w = jax.random.split(key)
    x = jax.random.randint(k_x, (BATCH, SEQ_LEN), 0, D_VOCAB, dtype=jnp.int32)
    # learned embedding table (nn.Embedding init ~ N(0,1))
    table = jax.random.normal(k_w, (D_VOCAB, D_MODEL), dtype=jnp.float32)
    return {"x": x, "table": table}


def reference(x, table):
    # torch_emb = Embedding(x); out = encoding[:seq_len, :] + torch_emb
    seq_len = x.shape[1]
    enc = make_encoding()
    emb = jnp.take(table, x, axis=0)  # gather: [B, S, D]
    return enc[:seq_len, :][None, :, :] + emb

if __name__ == "__main__":
    import jax
    _d = setup_inputs()
    print(jax.jit(kernel)(*tuple(_d.values())))

</pallas_src>

<mosaic_0001>
#map = affine_map<(d0, d1) -> (0, 0)>
#map1 = affine_map<(d0, d1) -> (0, 0, 0)>
module attributes {stable_mosaic.version = 14 : i64} {
  func.func @body(%arg0: i32, %arg1: i32, %arg2: memref<8192x100xi32, #tpu.memory_space<hbm>>, %arg3: memref<100000x64xf32, #tpu.memory_space<hbm>>, %arg4: memref<200x64xf32, #tpu.memory_space<hbm>>, %arg5: memref<4096x200x64xf32, #tpu.memory_space<hbm>>, %arg6: memref<2x4x100xi32, #tpu.memory_space<vmem>>, %arg7: memref<2x400x64xf32, #tpu.memory_space<vmem>>, %arg8: memref<2x2x200x64xf32, #tpu.memory_space<vmem>>, %arg9: memref<200x64xf32, #tpu.memory_space<vmem>>, %arg10: memref<!tpu.dma_semaphore, #tpu.memory_space<semaphore_mem>>, %arg11: memref<!tpu.dma_semaphore, #tpu.memory_space<semaphore_mem>>, %arg12: memref<!tpu.dma_semaphore, #tpu.memory_space<semaphore_mem>>, %arg13: memref<!tpu.dma_semaphore, #tpu.memory_space<semaphore_mem>>) attributes {dimension_semantics = [#tpu.dimension_semantics<core_parallel>, #tpu.dimension_semantics<subcore_parallel>], iteration_bounds = array<i64: 2, 16>, scalar_prefetch = 0 : i64, scratch_operands = 8 : i64, tpu.core_type = #tpu.core_type<sc_vector_subcore>, window_params = [{transform_indices = #map}, {transform_indices = #map}, {transform_indices = #map}, {transform_indices = #map1}]} {
    %mul3A = arith.constant 2 : i32
    %mul3A_0 = arith.muli %arg1, %mul3A : i32
    %add3A = arith.addi %mul3A_0, %arg0 : i32
    "tpu.region"() ({
      %run_scoped3A_102 = tpu.sem_alloc : memref<!tpu.dma_semaphore, #tpu.memory_space<semaphore_mem>>
      tpu.enqueue_dma source(%arg4 : memref<200x64xf32, #tpu.memory_space<hbm>>) target(%arg9 : memref<200x64xf32, #tpu.memory_space<vmem>>) target_semaphore(%run_scoped3A_102 : memref<!tpu.dma_semaphore, #tpu.memory_space<semaphore_mem>>)
      tpu.wait_dma2 semaphore(%run_scoped3A_102 : memref<!tpu.dma_semaphore, #tpu.memory_space<semaphore_mem>>) src(%arg4 : memref<200x64xf32, #tpu.memory_space<hbm>>) dst(%arg9 : memref<200x64xf32, #tpu.memory_space<vmem>>)
      tpu.yield
    }) : () -> ()
    %mul3A_1 = arith.constant 256 : i32
    %mul3A_2 = arith.muli %add3A, %mul3A_1 : i32
    %add3A_3 = arith.constant 0 : i32
    %add3A_4 = arith.addi %mul3A_2, %add3A_3 : i32
    %run_scoped3A = arith.constant 0 : i32
    "tpu.region"() ({
      %run_scoped3A_102 = tpu.sem_alloc : memref<!tpu.dma_semaphore, #tpu.memory_space<semaphore_mem>>
      %dma_start3A_103 = arith.constant 0 : i32
      %dma_start3A_104 = arith.constant 0 : i32
      %dma_start3A_105 = tpu.memref_slice %arg6[%run_scoped3A, %dma_start3A_103, %dma_start3A_104] : memref<2x4x100xi32, #tpu.memory_space<vmem>> -> memref<1x4x100xi32, #tpu.memory_space<vmem>>
      %dma_start3A_106 = tpu.memref_squeeze %dma_start3A_105 : memref<1x4x100xi32, #tpu.memory_space<vmem>> -> memref<4x100xi32, #tpu.memory_space<vmem>>
      %dma_start3A_107 = arith.constant 0 : i32
      %dma_start3A_108 = tpu.memref_slice %arg2[%add3A_4, %dma_start3A_107] : memref<8192x100xi32, #tpu.memory_space<hbm>> -> memref<4x100xi32, #tpu.memory_space<hbm>>
      %dma_start3A_109 = arith.constant 0 : i32
      %dma_start3A_110 = arith.constant 0 : i32
      %dma_start3A_111 = tpu.memref_slice %arg6[%run_scoped3A, %dma_start3A_109, %dma_start3A_110] : memref<2x4x100xi32, #tpu.memory_space<vmem>> -> memref<1x4x100xi32, #tpu.memory_space<vmem>>
      %dma_start3A_112 = tpu.memref_squeeze %dma_start3A_111 : memref<1x4x100xi32, #tpu.memory_space<vmem>> -> memref<4x100xi32, #tpu.memory_space<vmem>>
      %dma_start3A_113 = arith.constant 0 : i32
      %dma_start3A_114 = tpu.memref_slice %arg2[%add3A_4, %dma_start3A_113] : memref<8192x100xi32, #tpu.memory_space<hbm>> -> memref<4x100xi32, #tpu.memory_space<hbm>>
      tpu.enqueue_dma source(%dma_start3A_114 : memref<4x100xi32, #tpu.memory_space<hbm>>) target(%dma_start3A_112 : memref<4x100xi32, #tpu.memory_space<vmem>>) target_semaphore(%run_scoped3A_102 : memref<!tpu.dma_semaphore, #tpu.memory_space<semaphore_mem>>)
      %dma_wait3A_115 = arith.constant 0 : i32
      %dma_wait3A_116 = arith.constant 0 : i32
      %dma_wait3A_117 = tpu.memref_slice %arg6[%run_scoped3A, %dma_wait3A_115, %dma_wait3A_116] : memref<2x4x100xi32, #tpu.memory_space<vmem>> -> memref<1x4x100xi32, #tpu.memory_space<vmem>>
      %dma_wait3A_118 = tpu.memref_squeeze %dma_wait3A_117 : memref<1x4x100xi32, #tpu.memory_space<vmem>> -> memref<4x100xi32, #tpu.memory_space<vmem>>
      %dma_wait3A_119 = arith.constant 0 : i32
      %dma_wait3A_120 = tpu.memref_slice %arg2[%add3A_4, %dma_wait3A_119] : memref<8192x100xi32, #tpu.memory_space<hbm>> -> memref<4x100xi32, #tpu.memory_space<hbm>>
      %dma_wait3A_121 = arith.constant 0 : i32
      %dma_wait3A_122 = arith.constant 0 : i32
      %dma_wait3A_123 = tpu.memref_slice %arg6[%run_scoped3A, %dma_wait3A_121, %dma_wait3A_122] : memref<2x4x100xi32, #tpu.memory_space<vmem>> -> memref<1x4x100xi32, #tpu.memory_space<vmem>>
      %dma_wait3A_124 = tpu.memref_squeeze %dma_wait3A_123 : memref<1x4x100xi32, #tpu.memory_space<vmem>> -> memref<4x100xi32, #tpu.memory_space<vmem>>
      %dma_wait3A_125 = arith.constant 0 : i32
      %dma_wait3A_126 = tpu.memref_slice %arg2[%add3A_4, %dma_wait3A_125] : memref<8192x100xi32, #tpu.memory_space<hbm>> -> memref<4x100xi32, #tpu.memory_space<hbm>>
      tpu.wait_dma2 semaphore(%run_scoped3A_102 : memref<!tpu.dma_semaphore, #tpu.memory_space<semaphore_mem>>) src(%dma_wait3A_126 : memref<4x100xi32, #tpu.memory_space<hbm>>) dst(%dma_wait3A_124 : memref<4x100xi32, #tpu.memory_space<vmem>>)
      tpu.yield
    }) : () -> ()
    %dma_start3A = arith.constant 0 : i32
    %dma_start3A_5 = arith.constant 0 : i32
    %dma_start3A_6 = arith.constant 0 : i32
    %dma_start3A_7 = arith.constant 0 : i32
    %dma_start3A_8 = arith.constant 0 : i32
    %dma_start3A_9 = tpu.memref_slice %arg7[%dma_start3A_6, %dma_start3A_7, %dma_start3A_8] : memref<2x400x64xf32, #tpu.memory_space<vmem>> -> memref<1x100x64xf32, #tpu.memory_space<vmem>>
    %dma_start3A_10 = tpu.memref_squeeze %dma_start3A_9 : memref<1x100x64xf32, #tpu.memory_space<vmem>> -> memref<100x64xf32, #tpu.memory_space<vmem>>
    %dma_start3A_11 = arith.constant 0 : i32
    %dma_start3A_12 = tpu.memref_slice %arg6[%dma_start3A, %dma_start3A_5, %dma_start3A_11] : memref<2x4x100xi32, #tpu.memory_space<vmem>> -> memref<1x1x100xi32, #tpu.memory_space<vmem>>
    %dma_start3A_13 = tpu.memref_squeeze %dma_start3A_12 : memref<1x1x100xi32, #tpu.memory_space<vmem>> -> memref<100xi32, #tpu.memory_space<vmem>>
    %dma_start3A_14 = arith.constant 0 : i32
    %dma_start3A_15 = arith.constant 0 : i32
    %dma_start3A_16 = tpu.memref_slice %arg3[%dma_start3A_14, %dma_start3A_15] : memref<100000x64xf32, #tpu.memory_space<hbm>> -> memref<100000x64xf32, #tpu.memory_space<hbm>>
    tpu.enqueue_indirect_dma source(%dma_start3A_16 : memref<100000x64xf32, #tpu.memory_space<hbm>>) target(%dma_start3A_10 : memref<100x64xf32, #tpu.memory_space<vmem>>) offsets(%dma_start3A_13 : memref<100xi32, #tpu.memory_space<vmem>>) semaphore(%arg10 : memref<!tpu.dma_semaphore, #tpu.memory_space<semaphore_mem>>)
    %dma_start3A_17 = arith.constant 0 : i32
    %dma_start3A_18 = arith.constant 1 : i32
    %dma_start3A_19 = arith.constant 0 : i32
    %dma_start3A_20 = arith.constant 100 : i32
    %dma_start3A_21 = arith.constant 0 : i32
    %dma_start3A_22 = tpu.memref_slice %arg7[%dma_start3A_19, %dma_start3A_20, %dma_start3A_21] : memref<2x400x64xf32, #tpu.memory_space<vmem>> -> memref<1x100x64xf32, #tpu.memory_space<vmem>>
    %dma_start3A_23 = tpu.memref_squeeze %dma_start3A_22 : memref<1x100x64xf32, #tpu.memory_space<vmem>> -> memref<100x64xf32, #tpu.memory_space<vmem>>
    %dma_start3A_24 = arith.constant 0 : i32
    %dma_start3A_25 = tpu.memref_slice %arg6[%dma_start3A_17, %dma_start3A_18, %dma_start3A_24] : memref<2x4x100xi32, #tpu.memory_space<vmem>> -> memref<1x1x100xi32, #tpu.memory_space<vmem>>
    %dma_start3A_26 = tpu.memref_squeeze %dma_start3A_25 : memref<1x1x100xi32, #tpu.memory_space<vmem>> -> memref<100xi32, #tpu.memory_space<vmem>>
    %dma_start3A_27 = arith.constant 0 : i32
    %dma_start3A_28 = arith.constant 0 : i32
    %dma_start3A_29 = tpu.memref_slice %arg3[%dma_start3A_27, %dma_start3A_28] : memref<100000x64xf32, #tpu.memory_space<hbm>> -> memref<100000x64xf32, #tpu.memory_space<hbm>>
    tpu.enqueue_indirect_dma source(%dma_start3A_29 : memref<100000x64xf32, #tpu.memory_space<hbm>>) target(%dma_start3A_23 : memref<100x64xf32, #tpu.memory_space<vmem>>) offsets(%dma_start3A_26 : memref<100xi32, #tpu.memory_space<vmem>>) semaphore(%arg10 : memref<!tpu.dma_semaphore, #tpu.memory_space<semaphore_mem>>)
    %dma_start3A_30 = arith.constant 0 : i32
    %dma_start3A_31 = arith.constant 2 : i32
    %dma_start3A_32 = arith.constant 0 : i32
    %dma_start3A_33 = arith.constant 200 : i32
    %dma_start3A_34 = arith.constant 0 : i32
    %dma_start3A_35 = tpu.memref_slice %arg7[%dma_start3A_32, %dma_start3A_33, %dma_start3A_34] : memref<2x400x64xf32, #tpu.memory_space<vmem>> -> memref<1x100x64xf32, #tpu.memory_space<vmem>>
    %dma_start3A_36 = tpu.memref_squeeze %dma_start3A_35 : memref<1x100x64xf32, #tpu.memory_space<vmem>> -> memref<100x64xf32, #tpu.memory_space<vmem>>
    %dma_start3A_37 = arith.constant 0 : i32
    %dma_start3A_38 = tpu.memref_slice %arg6[%dma_start3A_30, %dma_start3A_31, %dma_start3A_37] : memref<2x4x100xi32, #tpu.memory_space<vmem>> -> memref<1x1x100xi32, #tpu.memory_space<vmem>>
    %dma_start3A_39 = tpu.memref_squeeze %dma_start3A_38 : memref<1x1x100xi32, #tpu.memory_space<vmem>> -> memref<100xi32, #tpu.memory_space<vmem>>
    %dma_start3A_40 = arith.constant 0 : i32
    %dma_start3A_41 = arith.constant 0 : i32
    %dma_start3A_42 = tpu.memref_slice %arg3[%dma_start3A_40, %dma_start3A_41] : memref<100000x64xf32, #tpu.memory_space<hbm>> -> memref<100000x64xf32, #tpu.memory_space<hbm>>
    tpu.enqueue_indirect_dma source(%dma_start3A_42 : memref<100000x64xf32, #tpu.memory_space<hbm>>) target(%dma_start3A_36 : memref<100x64xf32, #tpu.memory_space<vmem>>) offsets(%dma_start3A_39 : memref<100xi32, #tpu.memory_space<vmem>>) semaphore(%arg10 : memref<!tpu.dma_semaphore, #tpu.memory_space<semaphore_mem>>)
    %dma_start3A_43 = arith.constant 0 : i32
    %dma_start3A_44 = arith.constant 3 : i32
    %dma_start3A_45 = arith.constant 0 : i32
    %dma_start3A_46 = arith.constant 300 : i32
    %dma_start3A_47 = arith.constant 0 : i32
    %dma_start3A_48 = tpu.memref_slice %arg7[%dma_start3A_45, %dma_start3A_46, %dma_start3A_47] : memref<2x400x64xf32, #tpu.memory_space<vmem>> -> memref<1x100x64xf32, #tpu.memory_space<vmem>>
    %dma_start3A_49 = tpu.memref_squeeze %dma_start3A_48 : memref<1x100x64xf32, #tpu.memory_space<vmem>> -> memref<100x64xf32, #tpu.memory_space<vmem>>
    %dma_start3A_50 = arith.constant 0 : i32
    %dma_start3A_51 = tpu.memref_slice %arg6[%dma_start3A_43, %dma_start3A_44, %dma_start3A_50] : memref<2x4x100xi32, #tpu.memory_space<vmem>> -> memref<1x1x100xi32, #tpu.memory_space<vmem>>
    %dma_start3A_52 = tpu.memref_squeeze %dma_start3A_51 : memref<1x1x100xi32, #tpu.memory_space<vmem>> -> memref<100xi32, #tpu.memory_space<vmem>>
    %dma_start3A_53 = arith.constant 0 : i32
    %dma_start3A_54 = arith.constant 0 : i32
    %dma_start3A_55 = tpu.memref_slice %arg3[%dma_start3A_53, %dma_start3A_54] : memref<100000x64xf32, #tpu.memory_space<hbm>> -> memref<100000x64xf32, #tpu.memory_space<hbm>>
    tpu.enqueue_indirect_dma source(%dma_start3A_55 : memref<100000x64xf32, #tpu.memory_space<hbm>>) target(%dma_start3A_49 : memref<100x64xf32, #tpu.memory_space<vmem>>) offsets(%dma_start3A_52 : memref<100xi32, #tpu.memory_space<vmem>>) semaphore(%arg10 : memref<!tpu.dma_semaphore, #tpu.memory_space<semaphore_mem>>)
    %scan3A = arith.constant 0 : i32
    %scan3A_56 = arith.constant 0 : i32
    %scan3A_57 = arith.constant 32 : i32
    %scan3A_58 = arith.addi %scan3A_56, %scan3A_57 : i32
    %scan3A_59 = arith.constant 1 : i32
    scf.for %scan3A_102 = %scan3A_56 to %scan3A_58 step %scan3A_59  : i32 {
      %mul3A_103 = arith.constant 2 : i32
      %mul3A_104 = arith.muli %mul3A_103, %scan3A_102 : i32
      %add3A_105 = arith.constant 1 : i32
      %add3A_106 = arith.addi %mul3A_104, %add3A_105 : i32
      %lt3A = arith.constant 64 : i32
      %lt3A_107 = arith.cmpi slt, %add3A_106, %lt3A : i32
      %convert_element_type3A = arith.extui %lt3A_107 : i1 to i32
      %cond3A = arith.constant 0 : i32
      %cond3A_108 = arith.cmpi ne, %convert_element_type3A, %cond3A : i32
      scf.if %cond3A_108 {
        %mul3A_299 = arith.constant 256 : i32
        %mul3A_300 = arith.muli %add3A, %mul3A_299 : i32
        %mul3A_301 = arith.constant 4 : i32
        %mul3A_302 = arith.muli %add3A_106, %mul3A_301 : i32
        %add3A_303 = arith.addi %mul3A_300, %mul3A_302 : i32
        %run_scoped3A_304 = arith.constant 1 : i32
        "tpu.region"() ({
          %run_scoped3A_357 = tpu.sem_alloc : memref<!tpu.dma_semaphore, #tpu.memory_space<semaphore_mem>>
          %dma_start3A_358 = arith.constant 0 : i32
          %dma_start3A_359 = arith.constant 0 : i32
          %dma_start3A_360 = tpu.memref_slice %arg6[%run_scoped3A_304, %dma_start3A_358, %dma_start3A_359] : memref<2x4x100xi32, #tpu.memory_space<vmem>> -> memref<1x4x100xi32, #tpu.memory_space<vmem>>
          %dma_start3A_361 = tpu.memref_squeeze %dma_start3A_360 : memref<1x4x100xi32, #tpu.memory_space<vmem>> -> memref<4x100xi32, #tpu.memory_space<vmem>>
          %dma_start3A_362 = arith.constant 0 : i32
          %dma_start3A_363 = tpu.memref_slice %arg2[%add3A_303, %dma_start3A_362] : memref<8192x100xi32, #tpu.memory_space<hbm>> -> memref<4x100xi32, #tpu.memory_space<hbm>>
          %dma_start3A_364 = arith.constant 0 : i32
          %dma_start3A_365 = arith.constant 0 : i32
          %dma_start3A_366 = tpu.memref_slice %arg6[%run_scoped3A_304, %dma_start3A_364, %dma_start3A_365] : memref<2x4x100xi32, #tpu.memory_space<vmem>> -> memref<1x4x100xi32, #tpu.memory_space<vmem>>
          %dma_start3A_367 = tpu.memref_squeeze %dma_start3A_366 : memref<1x4x100xi32, #tpu.memory_space<vmem>> -> memref<4x100xi32, #tpu.memory_space<vmem>>
          %dma_start3A_368 = arith.constant 0 : i32
          %dma_start3A_369 = tpu.memref_slice %arg2[%add3A_303, %dma_start3A_368] : memref<8192x100xi32, #tpu.memory_space<hbm>> -> memref<4x100xi32, #tpu.memory_space<hbm>>
          tpu.enqueue_dma source(%dma_start3A_369 : memref<4x100xi32, #tpu.memory_space<hbm>>) target(%dma_start3A_367 : memref<4x100xi32, #tpu.memory_space<vmem>>) target_semaphore(%run_scoped3A_357 : memref<!tpu.dma_semaphore, #tpu.memory_space<semaphore_mem>>)
          %dma_wait3A_370 = arith.constant 0 : i32
          %dma_wait3A_371 = arith.constant 0 : i32
          %dma_wait3A_372 = tpu.memref_slice %arg6[%run_scoped3A_304, %dma_wait3A_370, %dma_wait3A_371] : memref<2x4x100xi32, #tpu.memory_space<vmem>> -> memref<1x4x100xi32, #tpu.memory_space<vmem>>
          %dma_wait3A_373 = tpu.memref_squeeze %dma_wait3A_372 : memref<1x4x100xi32, #tpu.memory_space<vmem>> -> memref<4x100xi32, #tpu.memory_space<vmem>>
          %dma_wait3A_374 = arith.constant 0 : i32
          %dma_wait3A_375 = tpu.memref_slice %arg2[%add3A_303, %dma_wait3A_374] : memref<8192x100xi32, #tpu.memory_space<hbm>> -> memref<4x100xi32, #tpu.memory_space<hbm>>
          %dma_wait3A_376 = arith.constant 0 : i32
          %dma_wait3A_377 = arith.constant 0 : i32
          %dma_wait3A_378 = tpu.memref_slice %arg6[%run_scoped3A_304, %dma_wait3A_376, %dma_wait3A_377] : memref<2x4x100xi32, #tpu.memory_space<vmem>> -> memref<1x4x100xi32, #tpu.memory_space<vmem>>
          %dma_wait3A_379 = tpu.memref_squeeze %dma_wait3A_378 : memref<1x4x100xi32, #tpu.memory_space<vmem>> -> memref<4x100xi32, #tpu.memory_space<vmem>>
          %dma_wait3A_380 = arith.constant 0 : i32
          %dma_wait3A_381 = tpu.memref_slice %arg2[%add3A_303, %dma_wait3A_380] : memref<8192x100xi32, #tpu.memory_space<hbm>> -> memref<4x100xi32, #tpu.memory_space<hbm>>
          tpu.wait_dma2 semaphore(%run_scoped3A_357 : memref<!tpu.dma_semaphore, #tpu.memory_space<semaphore_mem>>) src(%dma_wait3A_381 : memref<4x100xi32, #tpu.memory_space<hbm>>) dst(%dma_wait3A_379 : memref<4x100xi32, #tpu.memory_space<vmem>>)
          tpu.yield
        }) : () -> ()
        %dma_start3A_305 = arith.constant 1 : i32
        %dma_start3A_306 = arith.constant 0 : i32
        %dma_start3A_307 = arith.constant 1 : i32
        %dma_start3A_308 = arith.constant 0 : i32
        %dma_start3A_309 = arith.constant 0 : i32
        %dma_start3A_310 = tpu.memref_slice %arg7[%dma_start3A_307, %dma_start3A_308, %dma_start3A_309] : memref<2x400x64xf32, #tpu.memory_space<vmem>> -> memref<1x100x64xf32, #tpu.memory_space<vmem>>
        %dma_start3A_311 = tpu.memref_squeeze %dma_start3A_310 : memref<1x100x64xf32, #tpu.memory_space<vmem>> -> memref<100x64xf32, #tpu.memory_space<vmem>>
        %dma_start3A_312 = arith.constant 0 : i32
        %dma_start3A_313 = tpu.memref_slice %arg6[%dma_start3A_305, %dma_start3A_306, %dma_start3A_312] : memref<2x4x100xi32, #tpu.memory_space<vmem>> -> memref<1x1x100xi32, #tpu.memory_space<vmem>>
        %dma_start3A_314 = tpu.memref_squeeze %dma_start3A_313 : memref<1x1x100xi32, #tpu.memory_space<vmem>> -> memref<100xi32, #tpu.memory_space<vmem>>
        %dma_start3A_315 = arith.constant 0 : i32
        %dma_start3A_316 = arith.constant 0 : i32
        %dma_start3A_317 = tpu.memref_slice %arg3[%dma_start3A_315, %dma_start3A_316] : memref<100000x64xf32, #tpu.memory_space<hbm>> -> memref<100000x64xf32, #tpu.memory_space<hbm>>
        tpu.enqueue_indirect_dma source(%dma_start3A_317 : memref<100000x64xf32, #tpu.memory_space<hbm>>) target(%dma_start3A_311 : memref<100x64xf32, #tpu.memory_space<vmem>>) offsets(%dma_start3A_314 : memref<100xi32, #tpu.memory_space<vmem>>) semaphore(%arg11 : memref<!tpu.dma_semaphore, #tpu.memory_space<semaphore_mem>>)
        %dma_start3A_318 = arith.constant 1 : i32
        %dma_start3A_319 = arith.constant 1 : i32
        %dma_start3A_320 = arith.constant 1 : i32
        %dma_start3A_321 = arith.constant 100 : i32
        %dma_start3A_322 = arith.constant 0 : i32
        %dma_start3A_323 = tpu.memref_slice %arg7[%dma_start3A_320, %dma_start3A_321, %dma_start3A_322] : memref<2x400x64xf32, #tpu.memory_space<vmem>> -> memref<1x100x64xf32, #tpu.memory_space<vmem>>
        %dma_start3A_324 = tpu.memref_squeeze %dma_start3A_323 : memref<1x100x64xf32, #tpu.memory_space<vmem>> -> memref<100x64xf32, #tpu.memory_space<vmem>>
        %dma_start3A_325 = arith.constant 0 : i32
        %dma_start3A_326 = tpu.memref_slice %arg6[%dma_start3A_318, %dma_start3A_319, %dma_start3A_325] : memref<2x4x100xi32, #tpu.memory_space<vmem>> -> memref<1x1x100xi32, #tpu.memory_space<vmem>>
        %dma_start3A_327 = tpu.memref_squeeze %dma_start3A_326 : memref<1x1x100xi32, #tpu.memory_space<vmem>> -> memref<100xi32, #tpu.memory_space<vmem>>
        %dma_start3A_328 = arith.constant 0 : i32
        %dma_start3A_329 = arith.constant 0 : i32
        %dma_start3A_330 = tpu.memref_slice %arg3[%dma_start3A_328, %dma_start3A_329] : memref<100000x64xf32, #tpu.memory_space<hbm>> -> memref<100000x64xf32, #tpu.memory_space<hbm>>
        tpu.enqueue_indirect_dma source(%dma_start3A_330 : memref<100000x64xf32, #tpu.memory_space<hbm>>) target(%dma_start3A_324 : memref<100x64xf32, #tpu.memory_space<vmem>>) offsets(%dma_start3A_327 : memref<100xi32, #tpu.memory_space<vmem>>) semaphore(%arg11 : memref<!tpu.dma_semaphore, #tpu.memory_space<semaphore_mem>>)
        %dma_start3A_331 = arith.constant 1 : i32
        %dma_start3A_332 = arith.constant 2 : i32
        %dma_start3A_333 = arith.constant 1 : i32
        %dma_start3A_334 = arith.constant 200 : i32
        %dma_start3A_335 = arith.constant 0 : i32
        %dma_start3A_336 = tpu.memref_slice %arg7[%dma_start3A_333, %dma_start3A_334, %dma_start3A_335] : memref<2x400x64xf32, #tpu.memory_space<vmem>> -> memref<1x100x64xf32, #tpu.memory_space<vmem>>
        %dma_start3A_337 = tpu.memref_squeeze %dma_start3A_336 : memref<1x100x64xf32, #tpu.memory_space<vmem>> -> memref<100x64xf32, #tpu.memory_space<vmem>>
        %dma_start3A_338 = arith.constant 0 : i32
        %dma_start3A_339 = tpu.memref_slice %arg6[%dma_start3A_331, %dma_start3A_332, %dma_start3A_338] : memref<2x4x100xi32, #tpu.memory_space<vmem>> -> memref<1x1x100xi32, #tpu.memory_space<vmem>>
        %dma_start3A_340 = tpu.memref_squeeze %dma_start3A_339 : memref<1x1x100xi32, #tpu.memory_space<vmem>> -> memref<100xi32, #tpu.memory_space<vmem>>
        %dma_start3A_341 = arith.constant 0 : i32
        %dma_start3A_342 = arith.constant 0 : i32
        %dma_start3A_343 = tpu.memref_slice %arg3[%dma_start3A_341, %dma_start3A_342] : memref<100000x64xf32, #tpu.memory_space<hbm>> -> memref<100000x64xf32, #tpu.memory_space<hbm>>
        tpu.enqueue_indirect_dma source(%dma_start3A_343 : memref<100000x64xf32, #tpu.memory_space<hbm>>) target(%dma_start3A_337 : memref<100x64xf32, #tpu.memory_space<vmem>>) offsets(%dma_start3A_340 : memref<100xi32, #tpu.memory_space<vmem>>) semaphore(%arg11 : memref<!tpu.dma_semaphore, #tpu.memory_space<semaphore_mem>>)
        %dma_start3A_344 = arith.constant 1 : i32
        %dma_start3A_345 = arith.constant 3 : i32
        %dma_start3A_346 = arith.constant 1 : i32
        %dma_start3A_347 = arith.constant 300 : i32
        %dma_start3A_348 = arith.constant 0 : i32
        %dma_start3A_349 = tpu.memref_slice %arg7[%dma_start3A_346, %dma_start3A_347, %dma_start3A_348] : memref<2x400x64xf32, #tpu.memory_space<vmem>> -> memref<1x100x64xf32, #tpu.memory_space<vmem>>
        %dma_start3A_350 = tpu.memref_squeeze %dma_start3A_349 : memref<1x100x64xf32, #tpu.memory_space<vmem>> -> memref<100x64xf32, #tpu.memory_space<vmem>>
        %dma_start3A_351 = arith.constant 0 : i32
        %dma_start3A_352 = tpu.memref_slice %arg6[%dma_start3A_344, %dma_start3A_345, %dma_start3A_351] : memref<2x4x100xi32, #tpu.memory_space<vmem>> -> memref<1x1x100xi32, #tpu.memory_space<vmem>>
        %dma_start3A_353 = tpu.memref_squeeze %dma_start3A_352 : memref<1x1x100xi32, #tpu.memory_space<vmem>> -> memref<100xi32, #tpu.memory_space<vmem>>
        %dma_start3A_354 = arith.constant 0 : i32
        %dma_start3A_355 = arith.constant 0 : i32
        %dma_start3A_356 = tpu.memref_slice %arg3[%dma_start3A_354, %dma_start3A_355] : memref<100000x64xf32, #tpu.memory_space<hbm>> -> memref<100000x64xf32, #tpu.memory_space<hbm>>
        tpu.enqueue_indirect_dma source(%dma_start3A_356 : memref<100000x64xf32, #tpu.memory_space<hbm>>) target(%dma_start3A_350 : memref<100x64xf32, #tpu.memory_space<vmem>>) offsets(%dma_start3A_353 : memref<100xi32, #tpu.memory_space<vmem>>) semaphore(%arg11 : memref<!tpu.dma_semaphore, #tpu.memory_space<semaphore_mem>>)
      } else {
      }
      %mul3A_109 = arith.constant 256 : i32
      %mul3A_110 = arith.muli %add3A, %mul3A_109 : i32
      %mul3A_111 = arith.constant 4 : i32
      %mul3A_112 = arith.muli %mul3A_104, %mul3A_111 : i32
      %add3A_113 = arith.addi %mul3A_110, %mul3A_112 : i32
      %dma_wait3A_114 = arith.constant 0 : i32
      %dma_wait3A_115 = arith.constant 0 : i32
      %dma_wait3A_116 = arith.constant 0 : i32
      %dma_wait3A_117 = arith.constant 0 : i32
      %dma_wait3A_118 = arith.constant 0 : i32
      %dma_wait3A_119 = tpu.memref_slice %arg7[%dma_wait3A_116, %dma_wait3A_117, %dma_wait3A_118] : memref<2x400x64xf32, #tpu.memory_space<vmem>> -> memref<1x100x64xf32, #tpu.memory_space<vmem>>
      %dma_wait3A_120 = tpu.memref_squeeze %dma_wait3A_119 : memref<1x100x64xf32, #tpu.memory_space<vmem>> -> memref<100x64xf32, #tpu.memory_space<vmem>>
      %dma_wait3A_121 = arith.constant 0 : i32
      %dma_wait3A_122 = tpu.memref_slice %arg6[%dma_wait3A_114, %dma_wait3A_115, %dma_wait3A_121] : memref<2x4x100xi32, #tpu.memory_space<vmem>> -> memref<1x1x100xi32, #tpu.memory_space<vmem>>
      %dma_wait3A_123 = tpu.memref_squeeze %dma_wait3A_122 : memref<1x1x100xi32, #tpu.memory_space<vmem>> -> memref<100xi32, #tpu.memory_space<vmem>>
      %dma_wait3A_124 = arith.constant 0 : i32
      %dma_wait3A_125 = arith.constant 0 : i32
      %dma_wait3A_126 = tpu.memref_slice %arg3[%dma_wait3A_124, %dma_wait3A_125] : memref<100000x64xf32, #tpu.memory_space<hbm>> -> memref<100000x64xf32, #tpu.memory_space<hbm>>
      tpu.wait_indirect_dma semaphore(%arg10 : memref<!tpu.dma_semaphore, #tpu.memory_space<semaphore_mem>>) src(%dma_wait3A_126 : memref<100000x64xf32, #tpu.memory_space<hbm>>) dst(%dma_wait3A_120 : memref<100x64xf32, #tpu.memory_space<vmem>>)
      %dma_wait3A_127 = arith.constant 0 : i32
      %dma_wait3A_128 = arith.constant 1 : i32
      %dma_wait3A_129 = arith.constant 0 : i32
      %dma_wait3A_130 = arith.constant 100 : i32
      %dma_wait3A_131 = arith.constant 0 : i32
      %dma_wait3A_132 = tpu.memref_slice %arg7[%dma_wait3A_129, %dma_wait3A_130, %dma_wait3A_131] : memref<2x400x64xf32, #tpu.memory_space<vmem>> -> memref<1x100x64xf32, #tpu.memory_space<vmem>>
      %dma_wait3A_133 = tpu.memref_squeeze %dma_wait3A_132 : memref<1x100x64xf32, #tpu.memory_space<vmem>> -> memref<100x64xf32, #tpu.memory_space<vmem>>
      %dma_wait3A_134 = arith.constant 0 : i32
      %dma_wait3A_135 = tpu.memref_slice %arg6[%dma_wait3A_127, %dma_wait3A_128, %dma_wait3A_134] : memref<2x4x100xi32, #tpu.memory_space<vmem>> -> memref<1x1x100xi32, #tpu.memory_space<vmem>>
      %dma_wait3A_136 = tpu.memref_squeeze %dma_wait3A_135 : memref<1x1x100xi32, #tpu.memory_space<vmem>> -> memref<100xi32, #tpu.memory_space<vmem>>
      %dma_wait3A_137 = arith.constant 0 : i32
      %dma_wait3A_138 = arith.constant 0 : i32
      %dma_wait3A_139 = tpu.memref_slice %arg3[%dma_wait3A_137, %dma_wait3A_138] : memref<100000x64xf32, #tpu.memory_space<hbm>> -> memref<100000x64xf32, #tpu.memory_space<hbm>>
      tpu.wait_indirect_dma semaphore(%arg10 : memref<!tpu.dma_semaphore, #tpu.memory_space<semaphore_mem>>) src(%dma_wait3A_139 : memref<100000x64xf32, #tpu.memory_space<hbm>>) dst(%dma_wait3A_133 : memref<100x64xf32, #tpu.memory_space<vmem>>)
      %dma_wait3A_140 = arith.constant 0 : i32
      %dma_wait3A_141 = arith.constant 2 : i32
      %dma_wait3A_142 = arith.constant 0 : i32
      %dma_wait3A_143 = arith.constant 200 : i32
      %dma_wait3A_144 = arith.constant 0 : i32
      %dma_wait3A_145 = tpu.memref_slice %arg7[%dma_wait3A_142, %dma_wait3A_143, %dma_wait3A_144] : memref<2x400x64xf32, #tpu.memory_space<vmem>> -> memref<1x100x64xf32, #tpu.memory_space<vmem>>
      %dma_wait3A_146 = tpu.memref_squeeze %dma_wait3A_145 : memref<1x100x64xf32, #tpu.memory_space<vmem>> -> memref<100x64xf32, #tpu.memory_space<vmem>>
      %dma_wait3A_147 = arith.constant 0 : i32
      %dma_wait3A_148 = tpu.memref_slice %arg6[%dma_wait3A_140, %dma_wait3A_141, %dma_wait3A_147] : memref<2x4x100xi32, #tpu.memory_space<vmem>> -> memref<1x1x100xi32, #tpu.memory_space<vmem>>
      %dma_wait3A_149 = tpu.memref_squeeze %dma_wait3A_148 : memref<1x1x100xi32, #tpu.memory_space<vmem>> -> memref<100xi32, #tpu.memory_space<vmem>>
      %dma_wait3A_150 = arith.constant 0 : i32
      %dma_wait3A_151 = arith.constant 0 : i32
      %dma_wait3A_152 = tpu.memref_slice %arg3[%dma_wait3A_150, %dma_wait3A_151] : memref<100000x64xf32, #tpu.memory_space<hbm>> -> memref<100000x64xf32, #tpu.memory_space<hbm>>
      tpu.wait_indirect_dma semaphore(%arg10 : memref<!tpu.dma_semaphore, #tpu.memory_space<semaphore_mem>>) src(%dma_wait3A_152 : memref<100000x64xf32, #tpu.memory_space<hbm>>) dst(%dma_wait3A_146 : memref<100x64xf32, #tpu.memory_space<vmem>>)
      %dma_wait3A_153 = arith.constant 0 : i32
      %dma_wait3A_154 = arith.constant 3 : i32
      %dma_wait3A_155 = arith.constant 0 : i32
      %dma_wait3A_156 = arith.constant 300 : i32
      %dma_wait3A_157 = arith.constant 0 : i32
      %dma_wait3A_158 = tpu.memref_slice %arg7[%dma_wait3A_155, %dma_wait3A_156, %dma_wait3A_157] : memref<2x400x64xf32, #tpu.memory_space<vmem>> -> memref<1x100x64xf32, #tpu.memory_space<vmem>>
      %dma_wait3A_159 = tpu.memref_squeeze %dma_wait3A_158 : memref<1x100x64xf32, #tpu.memory_space<vmem>> -> memref<100x64xf32, #tpu.memory_space<vmem>>
      %dma_wait3A_160 = arith.constant 0 : i32
      %dma_wait3A_161 = tpu.memref_slice %arg6[%dma_wait3A_153, %dma_wait3A_154, %dma_wait3A_160] : memref<2x4x100xi32, #tpu.memory_space<vmem>> -> memref<1x1x100xi32, #tpu.memory_space<vmem>>
      %dma_wait3A_162 = tpu.memref_squeeze %dma_wait3A_161 : memref<1x1x100xi32, #tpu.memory_space<vmem>> -> memref<100xi32, #tpu.memory_space<vmem>>
      %dma_wait3A_163 = arith.constant 0 : i32
      %dma_wait3A_164 = arith.constant 0 : i32
      %dma_wait3A_165 = tpu.memref_slice %arg3[%dma_wait3A_163, %dma_wait3A_164] : memref<100000x64xf32, #tpu.memory_space<hbm>> -> memref<100000x64xf32, #tpu.memory_space<hbm>>
      tpu.wait_indirect_dma semaphore(%arg10 : memref<!tpu.dma_semaphore, #tpu.memory_space<semaphore_mem>>) src(%dma_wait3A_165 : memref<100000x64xf32, #tpu.memory_space<hbm>>) dst(%dma_wait3A_159 : memref<100x64xf32, #tpu.memory_space<vmem>>)
      %ge3A = arith.constant 2 : i32
      %ge3A_166 = arith.cmpi sge, %mul3A_104, %ge3A : i32
      %convert_element_type3A_167 = arith.extui %ge3A_166 : i1 to i32
      %cond3A_168 = arith.constant 0 : i32
      %cond3A_169 = arith.cmpi ne, %convert_element_type3A_167, %cond3A_168 : i32
      scf.if %cond3A_169 {
        %sub3A = arith.constant 2 : i32
        %sub3A_299 = arith.subi %mul3A_104, %sub3A : i32
        %mul3A_300 = arith.constant 128 : i32
        %mul3A_301 = arith.muli %add3A, %mul3A_300 : i32
        %mul3A_302 = arith.constant 2 : i32
        %mul3A_303 = arith.muli %sub3A_299, %mul3A_302 : i32
        %add3A_304 = arith.addi %mul3A_301, %mul3A_303 : i32
        %dma_wait3A_305 = arith.constant 0 : i32
        %dma_wait3A_306 = arith.constant 0 : i32
        %dma_wait3A_307 = arith.constant 0 : i32
        %dma_wait3A_308 = arith.constant 0 : i32
        %dma_wait3A_309 = tpu.memref_slice %arg8[%dma_wait3A_305, %dma_wait3A_306, %dma_wait3A_307, %dma_wait3A_308] : memref<2x2x200x64xf32, #tpu.memory_space<vmem>> -> memref<1x2x200x64xf32, #tpu.memory_space<vmem>>
        %dma_wait3A_310 = tpu.memref_squeeze %dma_wait3A_309 : memref<1x2x200x64xf32, #tpu.memory_space<vmem>> -> memref<2x200x64xf32, #tpu.memory_space<vmem>>
        %dma_wait3A_311 = arith.constant 0 : i32
        %dma_wait3A_312 = arith.constant 0 : i32
        %dma_wait3A_313 = tpu.memref_slice %arg5[%add3A_304, %dma_wait3A_311, %dma_wait3A_312] : memref<4096x200x64xf32, #tpu.memory_space<hbm>> -> memref<2x200x64xf32, #tpu.memory_space<hbm>>
        %dma_wait3A_314 = arith.constant 0 : i32
        %dma_wait3A_315 = arith.constant 0 : i32
        %dma_wait3A_316 = tpu.memref_slice %arg5[%add3A_304, %dma_wait3A_314, %dma_wait3A_315] : memref<4096x200x64xf32, #tpu.memory_space<hbm>> -> memref<2x200x64xf32, #tpu.memory_space<hbm>>
        %dma_wait3A_317 = arith.constant 0 : i32
        %dma_wait3A_318 = arith.constant 0 : i32
        %dma_wait3A_319 = arith.constant 0 : i32
        %dma_wait3A_320 = tpu.memref_slice %arg8[%dma_wait3A_305, %dma_wait3A_317, %dma_wait3A_318, %dma_wait3A_319] : memref<2x2x200x64xf32, #tpu.memory_space<vmem>> -> memref<1x2x200x64xf32, #tpu.memory_space<vmem>>
        %dma_wait3A_321 = tpu.memref_squeeze %dma_wait3A_320 : memref<1x2x200x64xf32, #tpu.memory_space<vmem>> -> memref<2x200x64xf32, #tpu.memory_space<vmem>>
        tpu.wait_dma2 semaphore(%arg12 : memref<!tpu.dma_semaphore, #tpu.memory_space<semaphore_mem>>) src(%dma_wait3A_321 : memref<2x200x64xf32, #tpu.memory_space<vmem>>) dst(%dma_wait3A_316 : memref<2x200x64xf32, #tpu.memory_space<hbm>>)
      } else {
      }
      %scan3A_170 = arith.constant 0 : i32
      %scan3A_171 = arith.constant 0 : i32
      %scan3A_172 = arith.constant 200 : i32
      %scan3A_173 = arith.addi %scan3A_171, %scan3A_172 : i32
      %scan3A_174 = arith.constant 1 : i32
      scf.for %scan3A_299 = %scan3A_171 to %scan3A_173 step %scan3A_174  : i32 {
        %get3A = arith.index_cast %scan3A_299 : i32 to index
        %get3A_300 = arith.constant 0 : index
        %get3A_301 = tpu.vector_load %arg9[%get3A, %get3A_300] {strides = array<i32>} : memref<200x64xf32, #tpu.memory_space<vmem>>, vector<1x16xf32>,
        %get3A_302 = vector.shape_cast %get3A_301 : vector<1x16xf32> to vector<16xf32>
        %add3A_303 = arith.constant 0 : i32
        %add3A_304 = arith.addi %add3A_303, %scan3A_299 : i32
        %get3A_305 = arith.constant 0 : i32
        %get3A_306 = arith.index_cast %get3A_305 : i32 to index
        %get3A_307 = arith.index_cast %add3A_304 : i32 to index
        %get3A_308 = arith.constant 0 : index
        %get3A_309 = tpu.vector_load %arg7[%get3A_306, %get3A_307, %get3A_308] {strides = array<i32>} : memref<2x400x64xf32, #tpu.memory_space<vmem>>, vector<1x1x16xf32>,
        %get3A_310 = vector.shape_cast %get3A_309 : vector<1x1x16xf32> to vector<16xf32>
        %add3A_311 = arith.addf %get3A_310, %get3A_302 : vector<16xf32>
        %swap3A = arith.constant 0 : i32
        %swap3A_312 = arith.constant 0 : i32
        %swap3A_313 = arith.index_cast %swap3A : i32 to index
        %swap3A_314 = arith.index_cast %swap3A_312 : i32 to index
        %swap3A_315 = arith.index_cast %scan3A_299 : i32 to index
        %swap3A_316 = arith.constant 0 : index
        %swap3A_317 = tpu.vector_load %arg8[%swap3A_313, %swap3A_314, %swap3A_315, %swap3A_316] {strides = array<i32>} : memref<2x2x200x64xf32, #tpu.memory_space<vmem>>, vector<1x1x1x16xf32>,
        %swap3A_318 = vector.shape_cast %swap3A_317 : vector<1x1x1x16xf32> to vector<16xf32>
        %swap3A_319 = vector.shape_cast %add3A_311 : vector<16xf32> to vector<1x1x1x16xf32>
        tpu.vector_store %arg8[%swap3A_313, %swap3A_314, %swap3A_315, %swap3A_316], %swap3A_319 {strides = array<i32>} : memref<2x2x200x64xf32, #tpu.memory_space<vmem>>, vector<1x1x1x16xf32>,
        %add3A_320 = arith.constant 200 : i32
        %add3A_321 = arith.addi %add3A_320, %scan3A_299 : i32
        %get3A_322 = arith.constant 0 : i32
        %get3A_323 = arith.index_cast %get3A_322 : i32 to index
        %get3A_324 = arith.index_cast %add3A_321 : i32 to index
        %get3A_325 = arith.constant 0 : index
        %get3A_326 = tpu.vector_load %arg7[%get3A_323, %get3A_324, %get3A_325] {strides = array<i32>} : memref<2x400x64xf32, #tpu.memory_space<vmem>>, vector<1x1x16xf32>,
        %get3A_327 = vector.shape_cast %get3A_326 : vector<1x1x16xf32> to vector<16xf32>
        %add3A_328 = arith.addf %get3A_327, %get3A_302 : vector<16xf32>
        %swap3A_329 = arith.constant 0 : i32
        %swap3A_330 = arith.constant 1 : i32
        %swap3A_331 = arith.index_cast %swap3A_329 : i32 to index
        %swap3A_332 = arith.index_cast %swap3A_330 : i32 to index
        %swap3A_333 = arith.index_cast %scan3A_299 : i32 to index
        %swap3A_334 = arith.constant 0 : index
        %swap3A_335 = tpu.vector_load %arg8[%swap3A_331, %swap3A_332, %swap3A_333, %swap3A_334] {strides = array<i32>} : memref<2x2x200x64xf32, #tpu.memory_space<vmem>>, vector<1x1x1x16xf32>,
        %swap3A_336 = vector.shape_cast %swap3A_335 : vector<1x1x1x16xf32> to vector<16xf32>
        %swap3A_337 = vector.shape_cast %add3A_328 : vector<16xf32> to vector<1x1x1x16xf32>
        tpu.vector_store %arg8[%swap3A_331, %swap3A_332, %swap3A_333, %swap3A_334], %swap3A_337 {strides = array<i32>} : memref<2x2x200x64xf32, #tpu.memory_space<vmem>>, vector<1x1x1x16xf32>,
        %get3A_338 = arith.index_cast %scan3A_299 : i32 to index
        %get3A_339 = arith.constant 16 : index
        %get3A_340 = tpu.vector_load %arg9[%get3A_338, %get3A_339] {strides = array<i32>} : memref<200x64xf32, #tpu.memory_space<vmem>>, vector<1x16xf32>,
        %get3A_341 = vector.shape_cast %get3A_340 : vector<1x16xf32> to vector<16xf32>
        %add3A_342 = arith.constant 0 : i32
        %add3A_343 = arith.addi %add3A_342, %scan3A_299 : i32
        %get3A_344 = arith.constant 0 : i32
        %get3A_345 = arith.index_cast %get3A_344 : i32 to index
        %get3A_346 = arith.index_cast %add3A_343 : i32 to index
        %get3A_347 = arith.constant 16 : index
        %get3A_348 = tpu.vector_load %arg7[%get3A_345, %get3A_346, %get3A_347] {strides = array<i32>} : memref<2x400x64xf32, #tpu.memory_space<vmem>>, vector<1x1x16xf32>,
        %get3A_349 = vector.shape_cast %get3A_348 : vector<1x1x16xf32> to vector<16xf32>
        %add3A_350 = arith.addf %get3A_349, %get3A_341 : vector<16xf32>
        %swap3A_351 = arith.constant 0 : i32
        %swap3A_352 = arith.constant 0 : i32
        %swap3A_353 = arith.index_cast %swap3A_351 : i32 to index
        %swap3A_354 = arith.index_cast %swap3A_352 : i32 to index
        %swap3A_355 = arith.index_cast %scan3A_299 : i32 to index
        %swap3A_356 = arith.constant 16 : index
        %swap3A_357 = tpu.vector_load %arg8[%swap3A_353, %swap3A_354, %swap3A_355, %swap3A_356] {strides = array<i32>} : memref<2x2x200x64xf32, #tpu.memory_space<vmem>>, vector<1x1x1x16xf32>,
        %swap3A_358 = vector.shape_cast %swap3A_357 : vector<1x1x1x16xf32> to vector<16xf32>
        %swap3A_359 = vector.shape_cast %add3A_350 : vector<16xf32> to vector<1x1x1x16xf32>
        tpu.vector_store %arg8[%swap3A_353, %swap3A_354, %swap3A_355, %swap3A_356], %swap3A_359 {strides = array<i32>} : memref<2x2x200x64xf32, #tpu.memory_space<vmem>>, vector<1x1x1x16xf32>,
        %add3A_360 = arith.constant 200 : i32
        %add3A_361 = arith.addi %add3A_360, %scan3A_299 : i32
        %get3A_362 = arith.constant 0 : i32
        %get3A_363 = arith.index_cast %get3A_362 : i32 to index
        %get3A_364 = arith.index_cast %add3A_361 : i32 to index
        %get3A_365 = arith.constant 16 : index
        %get3A_366 = tpu.vector_load %arg7[%get3A_363, %get3A_364, %get3A_365] {strides = array<i32>} : memref<2x400x64xf32, #tpu.memory_space<vmem>>, vector<1x1x16xf32>,
        %get3A_367 = vector.shape_cast %get3A_366 : vector<1x1x16xf32> to vector<16xf32>
        %add3A_368 = arith.addf %get3A_367, %get3A_341 : vector<16xf32>
        %swap3A_369 = arith.constant 0 : i32
        %swap3A_370 = arith.constant 1 : i32
        %swap3A_371 = arith.index_cast %swap3A_369 : i32 to index
        %swap3A_372 = arith.index_cast %swap3A_370 : i32 to index
        %swap3A_373 = arith.index_cast %scan3A_299 : i32 to index
        %swap3A_374 = arith.constant 16 : index
        %swap3A_375 = tpu.vector_load %arg8[%swap3A_371, %swap3A_372, %swap3A_373, %swap3A_374] {strides = array<i32>} : memref<2x2x200x64xf32, #tpu.memory_space<vmem>>, vector<1x1x1x16xf32>,
        %swap3A_376 = vector.shape_cast %swap3A_375 : vector<1x1x1x16xf32> to vector<16xf32>
        %swap3A_377 = vector.shape_cast %add3A_368 : vector<16xf32> to vector<1x1x1x16xf32>
        tpu.vector_store %arg8[%swap3A_371, %swap3A_372, %swap3A_373, %swap3A_374], %swap3A_377 {strides = array<i32>} : memref<2x2x200x64xf32, #tpu.memory_space<vmem>>, vector<1x1x1x16xf32>,
        %get3A_378 = arith.index_cast %scan3A_299 : i32 to index
        %get3A_379 = arith.constant 32 : index
        %get3A_380 = tpu.vector_load %arg9[%get3A_378, %get3A_379] {strides = array<i32>} : memref<200x64xf32, #tpu.memory_space<vmem>>, vector<1x16xf32>,
        %get3A_381 = vector.shape_cast %get3A_380 : vector<1x16xf32> to vector<16xf32>
        %add3A_382 = arith.constant 0 : i32
        %add3A_383 = arith.addi %add3A_382, %scan3A_299 : i32
        %get3A_384 = arith.constant 0 : i32
        %get3A_385 = arith.index_cast %get3A_384 : i32 to index
        %get3A_386 = arith.index_cast %add3A_383 : i32 to index
        %get3A_387 = arith.constant 32 : index
        %get3A_388 = tpu.vector_load %arg7[%get3A_385, %get3A_386, %get3A_387] {strides = array<i32>} : memref<2x400x64xf32, #tpu.memory_space<vmem>>, vector<1x1x16xf32>,
        %get3A_389 = vector.shape_cast %get3A_388 : vector<1x1x16xf32> to vector<16xf32>
        %add3A_390 = arith.addf %get3A_389, %get3A_381 : vector<16xf32>
        %swap3A_391 = arith.constant 0 : i32
        %swap3A_392 = arith.constant 0 : i32
        %swap3A_393 = arith.index_cast %swap3A_391 : i32 to index
        %swap3A_394 = arith.index_cast %swap3A_392 : i32 to index
        %swap3A_395 = arith.index_cast %scan3A_299 : i32 to index
        %swap3A_396 = arith.constant 32 : index
        %swap3A_397 = tpu.vector_load %arg8[%swap3A_393, %swap3A_394, %swap3A_395, %swap3A_396] {strides = array<i32>} : memref<2x2x200x64xf32, #tpu.memory_space<vmem>>, vector<1x1x1x16xf32>,
        %swap3A_398 = vector.shape_cast %swap3A_397 : vector<1x1x1x16xf32> to vector<16xf32>
        %swap3A_399 = vector.shape_cast %add3A_390 : vector<16xf32> to vector<1x1x1x16xf32>
        tpu.vector_store %arg8[%swap3A_393, %swap3A_394, %swap3A_395, %swap3A_396], %swap3A_399 {strides = array<i32>} : memref<2x2x200x64xf32, #tpu.memory_space<vmem>>, vector<1x1x1x16xf32>,
        %add3A_400 = arith.constant 200 : i32
        %add3A_401 = arith.addi %add3A_400, %scan3A_299 : i32
        %get3A_402 = arith.constant 0 : i32
        %get3A_403 = arith.index_cast %get3A_402 : i32 to index
        %get3A_404 = arith.index_cast %add3A_401 : i32 to index
        %get3A_405 = arith.constant 32 : index
        %get3A_406 = tpu.vector_load %arg7[%get3A_403, %get3A_404, %get3A_405] {strides = array<i32>} : memref<2x400x64xf32, #tpu.memory_space<vmem>>, vector<1x1x16xf32>,
        %get3A_407 = vector.shape_cast %get3A_406 : vector<1x1x16xf32> to vector<16xf32>
        %add3A_408 = arith.addf %get3A_407, %get3A_381 : vector<16xf32>
        %swap3A_409 = arith.constant 0 : i32
        %swap3A_410 = arith.constant 1 : i32
        %swap3A_411 = arith.index_cast %swap3A_409 : i32 to index
        %swap3A_412 = arith.index_cast %swap3A_410 : i32 to index
        %swap3A_413 = arith.index_cast %scan3A_299 : i32 to index
        %swap3A_414 = arith.constant 32 : index
        %swap3A_415 = tpu.vector_load %arg8[%swap3A_411, %swap3A_412, %swap3A_413, %swap3A_414] {strides = array<i32>} : memref<2x2x200x64xf32, #tpu.memory_space<vmem>>, vector<1x1x1x16xf32>,
        %swap3A_416 = vector.shape_cast %swap3A_415 : vector<1x1x1x16xf32> to vector<16xf32>
        %swap3A_417 = vector.shape_cast %add3A_408 : vector<16xf32> to vector<1x1x1x16xf32>
        tpu.vector_store %arg8[%swap3A_411, %swap3A_412, %swap3A_413, %swap3A_414], %swap3A_417 {strides = array<i32>} : memref<2x2x200x64xf32, #tpu.memory_space<vmem>>, vector<1x1x1x16xf32>,
        %get3A_418 = arith.index_cast %scan3A_299 : i32 to index
        %get3A_419 = arith.constant 48 : index
        %get3A_420 = tpu.vector_load %arg9[%get3A_418, %get3A_419] {strides = array<i32>} : memref<200x64xf32, #tpu.memory_space<vmem>>, vector<1x16xf32>,
        %get3A_421 = vector.shape_cast %get3A_420 : vector<1x16xf32> to vector<16xf32>
        %add3A_422 = arith.constant 0 : i32
        %add3A_423 = arith.addi %add3A_422, %scan3A_299 : i32
        %get3A_424 = arith.constant 0 : i32
        %get3A_425 = arith.index_cast %get3A_424 : i32 to index
        %get3A_426 = arith.index_cast %add3A_423 : i32 to index
        %get3A_427 = arith.constant 48 : index
        %get3A_428 = tpu.vector_load %arg7[%get3A_425, %get3A_426, %get3A_427] {strides = array<i32>} : memref<2x400x64xf32, #tpu.memory_space<vmem>>, vector<1x1x16xf32>,
        %get3A_429 = vector.shape_cast %get3A_428 : vector<1x1x16xf32> to vector<16xf32>
        %add3A_430 = arith.addf %get3A_429, %get3A_421 : vector<16xf32>
        %swap3A_431 = arith.constant 0 : i32
        %swap3A_432 = arith.constant 0 : i32
        %swap3A_433 = arith.index_cast %swap3A_431 : i32 to index
        %swap3A_434 = arith.index_cast %swap3A_432 : i32 to index
        %swap3A_435 = arith.index_cast %scan3A_299 : i32 to index
        %swap3A_436 = arith.constant 48 : index
        %swap3A_437 = tpu.vector_load %arg8[%swap3A_433, %swap3A_434, %swap3A_435, %swap3A_436] {strides = array<i32>} : memref<2x2x200x64xf32, #tpu.memory_space<vmem>>, vector<1x1x1x16xf32>,
        %swap3A_438 = vector.shape_cast %swap3A_437 : vector<1x1x1x16xf32> to vector<16xf32>
        %swap3A_439 = vector.shape_cast %add3A_430 : vector<16xf32> to vector<1x1x1x16xf32>
        tpu.vector_store %arg8[%swap3A_433, %swap3A_434, %swap3A_435, %swap3A_436], %swap3A_439 {strides = array<i32>} : memref<2x2x200x64xf32, #tpu.memory_space<vmem>>, vector<1x1x1x16xf32>,
        %add3A_440 = arith.constant 200 : i32
        %add3A_441 = arith.addi %add3A_440, %scan3A_299 : i32
        %get3A_442 = arith.constant 0 : i32
        %get3A_443 = arith.index_cast %get3A_442 : i32 to index
        %get3A_444 = arith.index_cast %add3A_441 : i32 to index
        %get3A_445 = arith.constant 48 : index
        %get3A_446 = tpu.vector_load %arg7[%get3A_443, %get3A_444, %get3A_445] {strides = array<i32>} : memref<2x400x64xf32, #tpu.memory_space<vmem>>, vector<1x1x16xf32>,
        %get3A_447 = vector.shape_cast %get3A_446 : vector<1x1x16xf32> to vector<16xf32>
        %add3A_448 = arith.addf %get3A_447, %get3A_421 : vector<16xf32>
        %swap3A_449 = arith.constant 0 : i32
        %swap3A_450 = arith.constant 1 : i32
        %swap3A_451 = arith.index_cast %swap3A_449 : i32 to index
        %swap3A_452 = arith.index_cast %swap3A_450 : i32 to index
        %swap3A_453 = arith.index_cast %scan3A_299 : i32 to index
        %swap3A_454 = arith.constant 48 : index
        %swap3A_455 = tpu.vector_load %arg8[%swap3A_451, %swap3A_452, %swap3A_453, %swap3A_454] {strides = array<i32>} : memref<2x2x200x64xf32, #tpu.memory_space<vmem>>, vector<1x1x1x16xf32>,
        %swap3A_456 = vector.shape_cast %swap3A_455 : vector<1x1x1x16xf32> to vector<16xf32>
        %swap3A_457 = vector.shape_cast %add3A_448 : vector<16xf32> to vector<1x1x1x16xf32>
        tpu.vector_store %arg8[%swap3A_451, %swap3A_452, %swap3A_453, %swap3A_454], %swap3A_457 {strides = array<i32>} : memref<2x2x200x64xf32, #tpu.memory_space<vmem>>, vector<1x1x1x16xf32>,
      }
      %scan3A_175 = arith.constant 200 : i32
      %mul3A_176 = arith.constant 128 : i32
      %mul3A_177 = arith.muli %add3A, %mul3A_176 : i32
      %mul3A_178 = arith.constant 2 : i32
      %mul3A_179 = arith.muli %mul3A_104, %mul3A_178 : i32
      %add3A_180 = arith.addi %mul3A_177, %mul3A_179 : i32
      %dma_start3A_181 = arith.constant 0 : i32
      %dma_start3A_182 = arith.constant 0 : i32
      %dma_start3A_183 = arith.constant 0 : i32
      %dma_start3A_184 = arith.constant 0 : i32
      %dma_start3A_185 = tpu.memref_slice %arg8[%dma_start3A_181, %dma_start3A_182, %dma_start3A_183, %dma_start3A_184] : memref<2x2x200x64xf32, #tpu.memory_space<vmem>> -> memref<1x2x200x64xf32, #tpu.memory_space<vmem>>
      %dma_start3A_186 = tpu.memref_squeeze %dma_start3A_185 : memref<1x2x200x64xf32, #tpu.memory_space<vmem>> -> memref<2x200x64xf32, #tpu.memory_space<vmem>>
      %dma_start3A_187 = arith.constant 0 : i32
      %dma_start3A_188 = arith.constant 0 : i32
      %dma_start3A_189 = tpu.memref_slice %arg5[%add3A_180, %dma_start3A_187, %dma_start3A_188] : memref<4096x200x64xf32, #tpu.memory_space<hbm>> -> memref<2x200x64xf32, #tpu.memory_space<hbm>>
      %dma_start3A_190 = arith.constant 0 : i32
      %dma_start3A_191 = arith.constant 0 : i32
      %dma_start3A_192 = tpu.memref_slice %arg5[%add3A_180, %dma_start3A_190, %dma_start3A_191] : memref<4096x200x64xf32, #tpu.memory_space<hbm>> -> memref<2x200x64xf32, #tpu.memory_space<hbm>>
      %dma_start3A_193 = arith.constant 0 : i32
      %dma_start3A_194 = arith.constant 0 : i32
      %dma_start3A_195 = arith.constant 0 : i32
      %dma_start3A_196 = tpu.memref_slice %arg8[%dma_start3A_181, %dma_start3A_193, %dma_start3A_194, %dma_start3A_195] : memref<2x2x200x64xf32, #tpu.memory_space<vmem>> -> memref<1x2x200x64xf32, #tpu.memory_space<vmem>>
      %dma_start3A_197 = tpu.memref_squeeze %dma_start3A_196 : memref<1x2x200x64xf32, #tpu.memory_space<vmem>> -> memref<2x200x64xf32, #tpu.memory_space<vmem>>
      tpu.enqueue_dma source(%dma_start3A_197 : memref<2x200x64xf32, #tpu.memory_space<vmem>>) target(%dma_start3A_192 : memref<2x200x64xf32, #tpu.memory_space<hbm>>) target_semaphore(%arg12 : memref<!tpu.dma_semaphore, #tpu.memory_space<semaphore_mem>>)
      %mul3A_198 = arith.constant 2 : i32
      %mul3A_199 = arith.muli %mul3A_198, %scan3A_102 : i32
      %add3A_200 = arith.constant 1 : i32
      %add3A_201 = arith.addi %mul3A_199, %add3A_200 : i32
      %add3A_202 = arith.constant 1 : i32
      %add3A_203 = arith.addi %add3A_201, %add3A_202 : i32
      %lt3A_204 = arith.constant 64 : i32
      %lt3A_205 = arith.cmpi slt, %add3A_203, %lt3A_204 : i32
      %convert_element_type3A_206 = arith.extui %lt3A_205 : i1 to i32
      %cond3A_207 = arith.constant 0 : i32
      %cond3A_208 = arith.cmpi ne, %convert_element_type3A_206, %cond3A_207 : i32
      scf.if %cond3A_208 {
        %mul3A_299 = arith.constant 256 : i32
        %mul3A_300 = arith.muli %add3A, %mul3A_299 : i32
        %mul3A_301 = arith.constant 4 : i32
        %mul3A_302 = arith.muli %add3A_203, %mul3A_301 : i32
        %add3A_303 = arith.addi %mul3A_300, %mul3A_302 : i32
        %run_scoped3A_304 = arith.constant 0 : i32
        "tpu.region"() ({
          %run_scoped3A_357 = tpu.sem_alloc : memref<!tpu.dma_semaphore, #tpu.memory_space<semaphore_mem>>
          %dma_start3A_358 = arith.constant 0 : i32
          %dma_start3A_359 = arith.constant 0 : i32
          %dma_start3A_360 = tpu.memref_slice %arg6[%run_scoped3A_304, %dma_start3A_358, %dma_start3A_359] : memref<2x4x100xi32, #tpu.memory_space<vmem>> -> memref<1x4x100xi32, #tpu.memory_space<vmem>>
          %dma_start3A_361 = tpu.memref_squeeze %dma_start3A_360 : memref<1x4x100xi32, #tpu.memory_space<vmem>> -> memref<4x100xi32, #tpu.memory_space<vmem>>
          %dma_start3A_362 = arith.constant 0 : i32
          %dma_start3A_363 = tpu.memref_slice %arg2[%add3A_303, %dma_start3A_362] : memref<8192x100xi32, #tpu.memory_space<hbm>> -> memref<4x100xi32, #tpu.memory_space<hbm>>
          %dma_start3A_364 = arith.constant 0 : i32
          %dma_start3A_365 = arith.constant 0 : i32
          %dma_start3A_366 = tpu.memref_slice %arg6[%run_scoped3A_304, %dma_start3A_364, %dma_start3A_365] : memref<2x4x100xi32, #tpu.memory_space<vmem>> -> memref<1x4x100xi32, #tpu.memory_space<vmem>>
          %dma_start3A_367 = tpu.memref_squeeze %dma_start3A_366 : memref<1x4x100xi32, #tpu.memory_space<vmem>> -> memref<4x100xi32, #tpu.memory_space<vmem>>
          %dma_start3A_368 = arith.constant 0 : i32
          %dma_start3A_369 = tpu.memref_slice %arg2[%add3A_303, %dma_start3A_368] : memref<8192x100xi32, #tpu.memory_space<hbm>> -> memref<4x100xi32, #tpu.memory_space<hbm>>
          tpu.enqueue_dma source(%dma_start3A_369 : memref<4x100xi32, #tpu.memory_space<hbm>>) target(%dma_start3A_367 : memref<4x100xi32, #tpu.memory_space<vmem>>) target_semaphore(%run_scoped3A_357 : memref<!tpu.dma_semaphore, #tpu.memory_space<semaphore_mem>>)
          %dma_wait3A_370 = arith.constant 0 : i32
          %dma_wait3A_371 = arith.constant 0 : i32
          %dma_wait3A_372 = tpu.memref_slice %arg6[%run_scoped3A_304, %dma_wait3A_370, %dma_wait3A_371] : memref<2x4x100xi32, #tpu.memory_space<vmem>> -> memref<1x4x100xi32, #tpu.memory_space<vmem>>
          %dma_wait3A_373 = tpu.memref_squeeze %dma_wait3A_372 : memref<1x4x100xi32, #tpu.memory_space<vmem>> -> memref<4x100xi32, #tpu.memory_space<vmem>>
          %dma_wait3A_374 = arith.constant 0 : i32
          %dma_wait3A_375 = tpu.memref_slice %arg2[%add3A_303, %dma_wait3A_374] : memref<8192x100xi32, #tpu.memory_space<hbm>> -> memref<4x100xi32, #tpu.memory_space<hbm>>
          %dma_wait3A_376 = arith.constant 0 : i32
          %dma_wait3A_377 = arith.constant 0 : i32
          %dma_wait3A_378 = tpu.memref_slice %arg6[%run_scoped3A_304, %dma_wait3A_376, %dma_wait3A_377] : memref<2x4x100xi32, #tpu.memory_space<vmem>> -> memref<1x4x100xi32, #tpu.memory_space<vmem>>
          %dma_wait3A_379 = tpu.memref_squeeze %dma_wait3A_378 : memref<1x4x100xi32, #tpu.memory_space<vmem>> -> memref<4x100xi32, #tpu.memory_space<vmem>>
          %dma_wait3A_380 = arith.constant 0 : i32
          %dma_wait3A_381 = tpu.memref_slice %arg2[%add3A_303, %dma_wait3A_380] : memref<8192x100xi32, #tpu.memory_space<hbm>> -> memref<4x100xi32, #tpu.memory_space<hbm>>
          tpu.wait_dma2 semaphore(%run_scoped3A_357 : memref<!tpu.dma_semaphore, #tpu.memory_space<semaphore_mem>>) src(%dma_wait3A_381 : memref<4x100xi32, #tpu.memory_space<hbm>>) dst(%dma_wait3A_379 : memref<4x100xi32, #tpu.memory_space<vmem>>)
          tpu.yield
        }) : () -> ()
        %dma_start3A_305 = arith.constant 0 : i32
        %dma_start3A_306 = arith.constant 0 : i32
        %dma_start3A_307 = arith.constant 0 : i32
        %dma_start3A_308 = arith.constant 0 : i32
        %dma_start3A_309 = arith.constant 0 : i32
        %dma_start3A_310 = tpu.memref_slice %arg7[%dma_start3A_307, %dma_start3A_308, %dma_start3A_309] : memref<2x400x64xf32, #tpu.memory_space<vmem>> -> memref<1x100x64xf32, #tpu.memory_space<vmem>>
        %dma_start3A_311 = tpu.memref_squeeze %dma_start3A_310 : memref<1x100x64xf32, #tpu.memory_space<vmem>> -> memref<100x64xf32, #tpu.memory_space<vmem>>
        %dma_start3A_312 = arith.constant 0 : i32
        %dma_start3A_313 = tpu.memref_slice %arg6[%dma_start3A_305, %dma_start3A_306, %dma_start3A_312] : memref<2x4x100xi32, #tpu.memory_space<vmem>> -> memref<1x1x100xi32, #tpu.memory_space<vmem>>
        %dma_start3A_314 = tpu.memref_squeeze %dma_start3A_313 : memref<1x1x100xi32, #tpu.memory_space<vmem>> -> memref<100xi32, #tpu.memory_space<vmem>>
        %dma_start3A_315 = arith.constant 0 : i32
        %dma_start3A_316 = arith.constant 0 : i32
        %dma_start3A_317 = tpu.memref_slice %arg3[%dma_start3A_315, %dma_start3A_316] : memref<100000x64xf32, #tpu.memory_space<hbm>> -> memref<100000x64xf32, #tpu.memory_space<hbm>>
        tpu.enqueue_indirect_dma source(%dma_start3A_317 : memref<100000x64xf32, #tpu.memory_space<hbm>>) target(%dma_start3A_311 : memref<100x64xf32, #tpu.memory_space<vmem>>) offsets(%dma_start3A_314 : memref<100xi32, #tpu.memory_space<vmem>>) semaphore(%arg10 : memref<!tpu.dma_semaphore, #tpu.memory_space<semaphore_mem>>)
        %dma_start3A_318 = arith.constant 0 : i32
        %dma_start3A_319 = arith.constant 1 : i32
        %dma_start3A_320 = arith.constant 0 : i32
        %dma_start3A_321 = arith.constant 100 : i32
        %dma_start3A_322 = arith.constant 0 : i32
        %dma_start3A_323 = tpu.memref_slice %arg7[%dma_start3A_320, %dma_start3A_321, %dma_start3A_322] : memref<2x400x64xf32, #tpu.memory_space<vmem>> -> memref<1x100x64xf32, #tpu.memory_space<vmem>>
        %dma_start3A_324 = tpu.memref_squeeze %dma_start3A_323 : memref<1x100x64xf32, #tpu.memory_space<vmem>> -> memref<100x64xf32, #tpu.memory_space<vmem>>
        %dma_start3A_325 = arith.constant 0 : i32
        %dma_start3A_326 = tpu.memref_slice %arg6[%dma_start3A_318, %dma_start3A_319, %dma_start3A_325] : memref<2x4x100xi32, #tpu.memory_space<vmem>> -> memref<1x1x100xi32, #tpu.memory_space<vmem>>
        %dma_start3A_327 = tpu.memref_squeeze %dma_start3A_326 : memref<1x1x100xi32, #tpu.memory_space<vmem>> -> memref<100xi32, #tpu.memory_space<vmem>>
        %dma_start3A_328 = arith.constant 0 : i32
        %dma_start3A_329 = arith.constant 0 : i32
        %dma_start3A_330 = tpu.memref_slice %arg3[%dma_start3A_328, %dma_start3A_329] : memref<100000x64xf32, #tpu.memory_space<hbm>> -> memref<100000x64xf32, #tpu.memory_space<hbm>>
        tpu.enqueue_indirect_dma source(%dma_start3A_330 : memref<100000x64xf32, #tpu.memory_space<hbm>>) target(%dma_start3A_324 : memref<100x64xf32, #tpu.memory_space<vmem>>) offsets(%dma_start3A_327 : memref<100xi32, #tpu.memory_space<vmem>>) semaphore(%arg10 : memref<!tpu.dma_semaphore, #tpu.memory_space<semaphore_mem>>)
        %dma_start3A_331 = arith.constant 0 : i32
        %dma_start3A_332 = arith.constant 2 : i32
        %dma_start3A_333 = arith.constant 0 : i32
        %dma_start3A_334 = arith.constant 200 : i32
        %dma_start3A_335 = arith.constant 0 : i32
        %dma_start3A_336 = tpu.memref_slice %arg7[%dma_start3A_333, %dma_start3A_334, %dma_start3A_335] : memref<2x400x64xf32, #tpu.memory_space<vmem>> -> memref<1x100x64xf32, #tpu.memory_space<vmem>>
        %dma_start3A_337 = tpu.memref_squeeze %dma_start3A_336 : memref<1x100x64xf32, #tpu.memory_space<vmem>> -> memref<100x64xf32, #tpu.memory_space<vmem>>
        %dma_start3A_338 = arith.constant 0 : i32
        %dma_start3A_339 = tpu.memref_slice %arg6[%dma_start3A_331, %dma_start3A_332, %dma_start3A_338] : memref<2x4x100xi32, #tpu.memory_space<vmem>> -> memref<1x1x100xi32, #tpu.memory_space<vmem>>
        %dma_start3A_340 = tpu.memref_squeeze %dma_start3A_339 : memref<1x1x100xi32, #tpu.memory_space<vmem>> -> memref<100xi32, #tpu.memory_space<vmem>>
        %dma_start3A_341 = arith.constant 0 : i32
        %dma_start3A_342 = arith.constant 0 : i32
        %dma_start3A_343 = tpu.memref_slice %arg3[%dma_start3A_341, %dma_start3A_342] : memref<100000x64xf32, #tpu.memory_space<hbm>> -> memref<100000x64xf32, #tpu.memory_space<hbm>>
        tpu.enqueue_indirect_dma source(%dma_start3A_343 : memref<100000x64xf32, #tpu.memory_space<hbm>>) target(%dma_start3A_337 : memref<100x64xf32, #tpu.memory_space<vmem>>) offsets(%dma_start3A_340 : memref<100xi32, #tpu.memory_space<vmem>>) semaphore(%arg10 : memref<!tpu.dma_semaphore, #tpu.memory_space<semaphore_mem>>)
        %dma_start3A_344 = arith.constant 0 : i32
        %dma_start3A_345 = arith.constant 3 : i32
        %dma_start3A_346 = arith.constant 0 : i32
        %dma_start3A_347 = arith.constant 300 : i32
        %dma_start3A_348 = arith.constant 0 : i32
        %dma_start3A_349 = tpu.memref_slice %arg7[%dma_start3A_346, %dma_start3A_347, %dma_start3A_348] : memref<2x400x64xf32, #tpu.memory_space<vmem>> -> memref<1x100x64xf32, #tpu.memory_space<vmem>>
        %dma_start3A_350 = tpu.memref_squeeze %dma_start3A_349 : memref<1x100x64xf32, #tpu.memory_space<vmem>> -> memref<100x64xf32, #tpu.memory_space<vmem>>
        %dma_start3A_351 = arith.constant 0 : i32
        %dma_start3A_352 = tpu.memref_slice %arg6[%dma_start3A_344, %dma_start3A_345, %dma_start3A_351] : memref<2x4x100xi32, #tpu.memory_space<vmem>> -> memref<1x1x100xi32, #tpu.memory_space<vmem>>
        %dma_start3A_353 = tpu.memref_squeeze %dma_start3A_352 : memref<1x1x100xi32, #tpu.memory_space<vmem>> -> memref<100xi32, #tpu.memory_space<vmem>>
        %dma_start3A_354 = arith.constant 0 : i32
        %dma_start3A_355 = arith.constant 0 : i32
        %dma_start3A_356 = tpu.memref_slice %arg3[%dma_start3A_354, %dma_start3A_355] : memref<100000x64xf32, #tpu.memory_space<hbm>> -> memref<100000x64xf32, #tpu.memory_space<hbm>>
        tpu.enqueue_indirect_dma source(%dma_start3A_356 : memref<100000x64xf32, #tpu.memory_space<hbm>>) target(%dma_start3A_350 : memref<100x64xf32, #tpu.memory_space<vmem>>) offsets(%dma_start3A_353 : memref<100xi32, #tpu.memory_space<vmem>>) semaphore(%arg10 : memref<!tpu.dma_semaphore, #tpu.memory_space<semaphore_mem>>)
      } else {
      }
      %mul3A_209 = arith.constant 256 : i32
      %mul3A_210 = arith.muli %add3A, %mul3A_209 : i32
      %mul3A_211 = arith.constant 4 : i32
      %mul3A_212 = arith.muli %add3A_201, %mul3A_211 : i32
      %add3A_213 = arith.addi %mul3A_210, %mul3A_212 : i32
      %dma_wait3A_214 = arith.constant 1 : i32
      %dma_wait3A_215 = arith.constant 0 : i32
      %dma_wait3A_216 = arith.constant 1 : i32
      %dma_wait3A_217 = arith.constant 0 : i32
      %dma_wait3A_218 = arith.constant 0 : i32
      %dma_wait3A_219 = tpu.memref_slice %arg7[%dma_wait3A_216, %dma_wait3A_217, %dma_wait3A_218] : memref<2x400x64xf32, #tpu.memory_space<vmem>> -> memref<1x100x64xf32, #tpu.memory_space<vmem>>
      %dma_wait3A_220 = tpu.memref_squeeze %dma_wait3A_219 : memref<1x100x64xf32, #tpu.memory_space<vmem>> -> memref<100x64xf32, #tpu.memory_space<vmem>>
      %dma_wait3A_221 = arith.constant 0 : i32
      %dma_wait3A_222 = tpu.memref_slice %arg6[%dma_wait3A_214, %dma_wait3A_215, %dma_wait3A_221] : memref<2x4x100xi32, #tpu.memory_space<vmem>> -> memref<1x1x100xi32, #tpu.memory_space<vmem>>
      %dma_wait3A_223 = tpu.memref_squeeze %dma_wait3A_222 : memref<1x1x100xi32, #tpu.memory_space<vmem>> -> memref<100xi32, #tpu.memory_space<vmem>>
      %dma_wait3A_224 = arith.constant 0 : i32
      %dma_wait3A_225 = arith.constant 0 : i32
      %dma_wait3A_226 = tpu.memref_slice %arg3[%dma_wait3A_224, %dma_wait3A_225] : memref<100000x64xf32, #tpu.memory_space<hbm>> -> memref<100000x64xf32, #tpu.memory_space<hbm>>
      tpu.wait_indirect_dma semaphore(%arg11 : memref<!tpu.dma_semaphore, #tpu.memory_space<semaphore_mem>>) src(%dma_wait3A_226 : memref<100000x64xf32, #tpu.memory_space<hbm>>) dst(%dma_wait3A_220 : memref<100x64xf32, #tpu.memory_space<vmem>>)
      %dma_wait3A_227 = arith.constant 1 : i32
      %dma_wait3A_228 = arith.constant 1 : i32
      %dma_wait3A_229 = arith.constant 1 : i32
      %dma_wait3A_230 = arith.constant 100 : i32
      %dma_wait3A_231 = arith.constant 0 : i32
      %dma_wait3A_232 = tpu.memref_slice %arg7[%dma_wait3A_229, %dma_wait3A_230, %dma_wait3A_231] : memref<2x400x64xf32, #tpu.memory_space<vmem>> -> memref<1x100x64xf32, #tpu.memory_space<vmem>>
      %dma_wait3A_233 = tpu.memref_squeeze %dma_wait3A_232 : memref<1x100x64xf32, #tpu.memory_space<vmem>> -> memref<100x64xf32, #tpu.memory_space<vmem>>
      %dma_wait3A_234 = arith.constant 0 : i32
      %dma_wait3A_235 = tpu.memref_slice %arg6[%dma_wait3A_227, %dma_wait3A_228, %dma_wait3A_234] : memref<2x4x100xi32, #tpu.memory_space<vmem>> -> memref<1x1x100xi32, #tpu.memory_space<vmem>>
      %dma_wait3A_236 = tpu.memref_squeeze %dma_wait3A_235 : memref<1x1x100xi32, #tpu.memory_space<vmem>> -> memref<100xi32, #tpu.memory_space<vmem>>
      %dma_wait3A_237 = arith.constant 0 : i32
      %dma_wait3A_238 = arith.constant 0 : i32
      %dma_wait3A_239 = tpu.memref_slice %arg3[%dma_wait3A_237, %dma_wait3A_238] : memref<100000x64xf32, #tpu.memory_space<hbm>> -> memref<100000x64xf32, #tpu.memory_space<hbm>>
      tpu.wait_indirect_dma semaphore(%arg11 : memref<!tpu.dma_semaphore, #tpu.memory_space<semaphore_mem>>) src(%dma_wait3A_239 : memref<100000x64xf32, #tpu.memory_space<hbm>>) dst(%dma_wait3A_233 : memref<100x64xf32, #tpu.memory_space<vmem>>)
      %dma_wait3A_240 = arith.constant 1 : i32
      %dma_wait3A_241 = arith.constant 2 : i32
      %dma_wait3A_242 = arith.constant 1 : i32
      %dma_wait3A_243 = arith.constant 200 : i32
      %dma_wait3A_244 = arith.constant 0 : i32
      %dma_wait3A_245 = tpu.memref_slice %arg7[%dma_wait3A_242, %dma_wait3A_243, %dma_wait3A_244] : memref<2x400x64xf32, #tpu.memory_space<vmem>> -> memref<1x100x64xf32, #tpu.memory_space<vmem>>
      %dma_wait3A_246 = tpu.memref_squeeze %dma_wait3A_245 : memref<1x100x64xf32, #tpu.memory_space<vmem>> -> memref<100x64xf32, #tpu.memory_space<vmem>>
      %dma_wait3A_247 = arith.constant 0 : i32
      %dma_wait3A_248 = tpu.memref_slice %arg6[%dma_wait3A_240, %dma_wait3A_241, %dma_wait3A_247] : memref<2x4x100xi32, #tpu.memory_space<vmem>> -> memref<1x1x100xi32, #tpu.memory_space<vmem>>
      %dma_wait3A_249 = tpu.memref_squeeze %dma_wait3A_248 : memref<1x1x100xi32, #tpu.memory_space<vmem>> -> memref<100xi32, #tpu.memory_space<vmem>>
      %dma_wait3A_250 = arith.constant 0 : i32
      %dma_wait3A_251 = arith.constant 0 : i32
      %dma_wait3A_252 = tpu.memref_slice %arg3[%dma_wait3A_250, %dma_wait3A_251] : memref<100000x64xf32, #tpu.memory_space<hbm>> -> memref<100000x64xf32, #tpu.memory_space<hbm>>
      tpu.wait_indirect_dma semaphore(%arg11 : memref<!tpu.dma_semaphore, #tpu.memory_space<semaphore_mem>>) src(%dma_wait3A_252 : memref<100000x64xf32, #tpu.memory_space<hbm>>) dst(%dma_wait3A_246 : memref<100x64xf32, #tpu.memory_space<vmem>>)
      %dma_wait3A_253 = arith.constant 1 : i32
      %dma_wait3A_254 = arith.constant 3 : i32
      %dma_wait3A_255 = arith.constant 1 : i32
      %dma_wait3A_256 = arith.constant 300 : i32
      %dma_wait3A_257 = arith.constant 0 : i32
      %dma_wait3A_258 = tpu.memref_slice %arg7[%dma_wait3A_255, %dma_wait3A_256, %dma_wait3A_257] : memref<2x400x64xf32, #tpu.memory_space<vmem>> -> memref<1x100x64xf32, #tpu.memory_space<vmem>>
      %dma_wait3A_259 = tpu.memref_squeeze %dma_wait3A_258 : memref<1x100x64xf32, #tpu.memory_space<vmem>> -> memref<100x64xf32, #tpu.memory_space<vmem>>
      %dma_wait3A_260 = arith.constant 0 : i32
      %dma_wait3A_261 = tpu.memref_slice %arg6[%dma_wait3A_253, %dma_wait3A_254, %dma_wait3A_260] : memref<2x4x100xi32, #tpu.memory_space<vmem>> -> memref<1x1x100xi32, #tpu.memory_space<vmem>>
      %dma_wait3A_262 = tpu.memref_squeeze %dma_wait3A_261 : memref<1x1x100xi32, #tpu.memory_space<vmem>> -> memref<100xi32, #tpu.memory_space<vmem>>
      %dma_wait3A_263 = arith.constant 0 : i32
      %dma_wait3A_264 = arith.constant 0 : i32
      %dma_wait3A_265 = tpu.memref_slice %arg3[%dma_wait3A_263, %dma_wait3A_264] : memref<100000x64xf32, #tpu.memory_space<hbm>> -> memref<100000x64xf32, #tpu.memory_space<hbm>>
      tpu.wait_indirect_dma semaphore(%arg11 : memref<!tpu.dma_semaphore, #tpu.memory_space<semaphore_mem>>) src(%dma_wait3A_265 : memref<100000x64xf32, #tpu.memory_space<hbm>>) dst(%dma_wait3A_259 : memref<100x64xf32, #tpu.memory_space<vmem>>)
      %ge3A_266 = arith.constant 2 : i32
      %ge3A_267 = arith.cmpi sge, %add3A_201, %ge3A_266 : i32
      %convert_element_type3A_268 = arith.extui %ge3A_267 : i1 to i32
      %cond3A_269 = arith.constant 0 : i32
      %cond3A_270 = arith.cmpi ne, %convert_element_type3A_268, %cond3A_269 : i32
      scf.if %cond3A_270 {
        %sub3A = arith.constant 2 : i32
        %sub3A_299 = arith.subi %add3A_201, %sub3A : i32
        %mul3A_300 = arith.constant 128 : i32
        %mul3A_301 = arith.muli %add3A, %mul3A_300 : i32
        %mul3A_302 = arith.constant 2 : i32
        %mul3A_303 = arith.muli %sub3A_299, %mul3A_302 : i32
        %add3A_304 = arith.addi %mul3A_301, %mul3A_303 : i32
        %dma_wait3A_305 = arith.constant 1 : i32
        %dma_wait3A_306 = arith.constant 0 : i32
        %dma_wait3A_307 = arith.constant 0 : i32
        %dma_wait3A_308 = arith.constant 0 : i32
        %dma_wait3A_309 = tpu.memref_slice %arg8[%dma_wait3A_305, %dma_wait3A_306, %dma_wait3A_307, %dma_wait3A_308] : memref<2x2x200x64xf32, #tpu.memory_space<vmem>> -> memref<1x2x200x64xf32, #tpu.memory_space<vmem>>
        %dma_wait3A_310 = tpu.memref_squeeze %dma_wait3A_309 : memref<1x2x200x64xf32, #tpu.memory_space<vmem>> -> memref<2x200x64xf32, #tpu.memory_space<vmem>>
        %dma_wait3A_311 = arith.constant 0 : i32
        %dma_wait3A_312 = arith.constant 0 : i32
        %dma_wait3A_313 = tpu.memref_slice %arg5[%add3A_304, %dma_wait3A_311, %dma_wait3A_312] : memref<4096x200x64xf32, #tpu.memory_space<hbm>> -> memref<2x200x64xf32, #tpu.memory_space<hbm>>
        %dma_wait3A_314 = arith.constant 0 : i32
        %dma_wait3A_315 = arith.constant 0 : i32
        %dma_wait3A_316 = tpu.memref_slice %arg5[%add3A_304, %dma_wait3A_314, %dma_wait3A_315] : memref<4096x200x64xf32, #tpu.memory_space<hbm>> -> memref<2x200x64xf32, #tpu.memory_space<hbm>>
        %dma_wait3A_317 = arith.constant 0 : i32
        %dma_wait3A_318 = arith.constant 0 : i32
        %dma_wait3A_319 = arith.constant 0 : i32
        %dma_wait3A_320 = tpu.memref_slice %arg8[%dma_wait3A_305, %dma_wait3A_317, %dma_wait3A_318, %dma_wait3A_319] : memref<2x2x200x64xf32, #tpu.memory_space<vmem>> -> memref<1x2x200x64xf32, #tpu.memory_space<vmem>>
        %dma_wait3A_321 = tpu.memref_squeeze %dma_wait3A_320 : memref<1x2x200x64xf32, #tpu.memory_space<vmem>> -> memref<2x200x64xf32, #tpu.memory_space<vmem>>
        tpu.wait_dma2 semaphore(%arg13 : memref<!tpu.dma_semaphore, #tpu.memory_space<semaphore_mem>>) src(%dma_wait3A_321 : memref<2x200x64xf32, #tpu.memory_space<vmem>>) dst(%dma_wait3A_316 : memref<2x200x64xf32, #tpu.memory_space<hbm>>)
      } else {
      }
      %scan3A_271 = arith.constant 0 : i32
      %scan3A_272 = arith.constant 0 : i32
      %scan3A_273 = arith.constant 200 : i32
      %scan3A_274 = arith.addi %scan3A_272, %scan3A_273 : i32
      %scan3A_275 = arith.constant 1 : i32
      scf.for %scan3A_299 = %scan3A_272 to %scan3A_274 step %scan3A_275  : i32 {
        %get3A = arith.index_cast %scan3A_299 : i32 to index
        %get3A_300 = arith.constant 0 : index
        %get3A_301 = tpu.vector_load %arg9[%get3A, %get3A_300] {strides = array<i32>} : memref<200x64xf32, #tpu.memory_space<vmem>>, vector<1x16xf32>,
        %get3A_302 = vector.shape_cast %get3A_301 : vector<1x16xf32> to vector<16xf32>
        %add3A_303 = arith.constant 0 : i32
        %add3A_304 = arith.addi %add3A_303, %scan3A_299 : i32
        %get3A_305 = arith.constant 1 : i32
        %get3A_306 = arith.index_cast %get3A_305 : i32 to index
        %get3A_307 = arith.index_cast %add3A_304 : i32 to index
        %get3A_308 = arith.constant 0 : index
        %get3A_309 = tpu.vector_load %arg7[%get3A_306, %get3A_307, %get3A_308] {strides = array<i32>} : memref<2x400x64xf32, #tpu.memory_space<vmem>>, vector<1x1x16xf32>,
        %get3A_310 = vector.shape_cast %get3A_309 : vector<1x1x16xf32> to vector<16xf32>
        %add3A_311 = arith.addf %get3A_310, %get3A_302 : vector<16xf32>
        %swap3A = arith.constant 1 : i32
        %swap3A_312 = arith.constant 0 : i32
        %swap3A_313 = arith.index_cast %swap3A : i32 to index
        %swap3A_314 = arith.index_cast %swap3A_312 : i32 to index
        %swap3A_315 = arith.index_cast %scan3A_299 : i32 to index
        %swap3A_316 = arith.constant 0 : index
        %swap3A_317 = tpu.vector_load %arg8[%swap3A_313, %swap3A_314, %swap3A_315, %swap3A_316] {strides = array<i32>} : memref<2x2x200x64xf32, #tpu.memory_space<vmem>>, vector<1x1x1x16xf32>,
        %swap3A_318 = vector.shape_cast %swap3A_317 : vector<1x1x1x16xf32> to vector<16xf32>
        %swap3A_319 = vector.shape_cast %add3A_311 : vector<16xf32> to vector<1x1x1x16xf32>
        tpu.vector_store %arg8[%swap3A_313, %swap3A_314, %swap3A_315, %swap3A_316], %swap3A_319 {strides = array<i32>} : memref<2x2x200x64xf32, #tpu.memory_space<vmem>>, vector<1x1x1x16xf32>,
        %add3A_320 = arith.constant 200 : i32
        %add3A_321 = arith.addi %add3A_320, %scan3A_299 : i32
        %get3A_322 = arith.constant 1 : i32
        %get3A_323 = arith.index_cast %get3A_322 : i32 to index
        %get3A_324 = arith.index_cast %add3A_321 : i32 to index
        %get3A_325 = arith.constant 0 : index
        %get3A_326 = tpu.vector_load %arg7[%get3A_323, %get3A_324, %get3A_325] {strides = array<i32>} : memref<2x400x64xf32, #tpu.memory_space<vmem>>, vector<1x1x16xf32>,
        %get3A_327 = vector.shape_cast %get3A_326 : vector<1x1x16xf32> to vector<16xf32>
        %add3A_328 = arith.addf %get3A_327, %get3A_302 : vector<16xf32>
        %swap3A_329 = arith.constant 1 : i32
        %swap3A_330 = arith.constant 1 : i32
        %swap3A_331 = arith.index_cast %swap3A_329 : i32 to index
        %swap3A_332 = arith.index_cast %swap3A_330 : i32 to index
        %swap3A_333 = arith.index_cast %scan3A_299 : i32 to index
        %swap3A_334 = arith.constant 0 : index
        %swap3A_335 = tpu.vector_load %arg8[%swap3A_331, %swap3A_332, %swap3A_333, %swap3A_334] {strides = array<i32>} : memref<2x2x200x64xf32, #tpu.memory_space<vmem>>, vector<1x1x1x16xf32>,
        %swap3A_336 = vector.shape_cast %swap3A_335 : vector<1x1x1x16xf32> to vector<16xf32>
        %swap3A_337 = vector.shape_cast %add3A_328 : vector<16xf32> to vector<1x1x1x16xf32>
        tpu.vector_store %arg8[%swap3A_331, %swap3A_332, %swap3A_333, %swap3A_334], %swap3A_337 {strides = array<i32>} : memref<2x2x200x64xf32, #tpu.memory_space<vmem>>, vector<1x1x1x16xf32>,
        %get3A_338 = arith.index_cast %scan3A_299 : i32 to index
        %get3A_339 = arith.constant 16 : index
        %get3A_340 = tpu.vector_load %arg9[%get3A_338, %get3A_339] {strides = array<i32>} : memref<200x64xf32, #tpu.memory_space<vmem>>, vector<1x16xf32>,
        %get3A_341 = vector.shape_cast %get3A_340 : vector<1x16xf32> to vector<16xf32>
        %add3A_342 = arith.constant 0 : i32
        %add3A_343 = arith.addi %add3A_342, %scan3A_299 : i32
        %get3A_344 = arith.constant 1 : i32
        %get3A_345 = arith.index_cast %get3A_344 : i32 to index
        %get3A_346 = arith.index_cast %add3A_343 : i32 to index
        %get3A_347 = arith.constant 16 : index
        %get3A_348 = tpu.vector_load %arg7[%get3A_345, %get3A_346, %get3A_347] {strides = array<i32>} : memref<2x400x64xf32, #tpu.memory_space<vmem>>, vector<1x1x16xf32>,
        %get3A_349 = vector.shape_cast %get3A_348 : vector<1x1x16xf32> to vector<16xf32>
        %add3A_350 = arith.addf %get3A_349, %get3A_341 : vector<16xf32>
        %swap3A_351 = arith.constant 1 : i32
        %swap3A_352 = arith.constant 0 : i32
        %swap3A_353 = arith.index_cast %swap3A_351 : i32 to index
        %swap3A_354 = arith.index_cast %swap3A_352 : i32 to index
        %swap3A_355 = arith.index_cast %scan3A_299 : i32 to index
        %swap3A_356 = arith.constant 16 : index
        %swap3A_357 = tpu.vector_load %arg8[%swap3A_353, %swap3A_354, %swap3A_355, %swap3A_356] {strides = array<i32>} : memref<2x2x200x64xf32, #tpu.memory_space<vmem>>, vector<1x1x1x16xf32>,
        %swap3A_358 = vector.shape_cast %swap3A_357 : vector<1x1x1x16xf32> to vector<16xf32>
        %swap3A_359 = vector.shape_cast %add3A_350 : vector<16xf32> to vector<1x1x1x16xf32>
        tpu.vector_store %arg8[%swap3A_353, %swap3A_354, %swap3A_355, %swap3A_356], %swap3A_359 {strides = array<i32>} : memref<2x2x200x64xf32, #tpu.memory_space<vmem>>, vector<1x1x1x16xf32>,
        %add3A_360 = arith.constant 200 : i32
        %add3A_361 = arith.addi %add3A_360, %scan3A_299 : i32
        %get3A_362 = arith.constant 1 : i32
        %get3A_363 = arith.index_cast %get3A_362 : i32 to index
        %get3A_364 = arith.index_cast %add3A_361 : i32 to index
        %get3A_365 = arith.constant 16 : index
        %get3A_366 = tpu.vector_load %arg7[%get3A_363, %get3A_364, %get3A_365] {strides = array<i32>} : memref<2x400x64xf32, #tpu.memory_space<vmem>>, vector<1x1x16xf32>,
        %get3A_367 = vector.shape_cast %get3A_366 : vector<1x1x16xf32> to vector<16xf32>
        %add3A_368 = arith.addf %get3A_367, %get3A_341 : vector<16xf32>
        %swap3A_369 = arith.constant 1 : i32
        %swap3A_370 = arith.constant 1 : i32
        %swap3A_371 = arith.index_cast %swap3A_369 : i32 to index
        %swap3A_372 = arith.index_cast %swap3A_370 : i32 to index
        %swap3A_373 = arith.index_cast %scan3A_299 : i32 to index
        %swap3A_374 = arith.constant 16 : index
        %swap3A_375 = tpu.vector_load %arg8[%swap3A_371, %swap3A_372, %swap3A_373, %swap3A_374] {strides = array<i32>} : memref<2x2x200x64xf32, #tpu.memory_space<vmem>>, vector<1x1x1x16xf32>,
        %swap3A_376 = vector.shape_cast %swap3A_375 : vector<1x1x1x16xf32> to vector<16xf32>
        %swap3A_377 = vector.shape_cast %add3A_368 : vector<16xf32> to vector<1x1x1x16xf32>
        tpu.vector_store %arg8[%swap3A_371, %swap3A_372, %swap3A_373, %swap3A_374], %swap3A_377 {strides = array<i32>} : memref<2x2x200x64xf32, #tpu.memory_space<vmem>>, vector<1x1x1x16xf32>,
        %get3A_378 = arith.index_cast %scan3A_299 : i32 to index
        %get3A_379 = arith.constant 32 : index
        %get3A_380 = tpu.vector_load %arg9[%get3A_378, %get3A_379] {strides = array<i32>} : memref<200x64xf32, #tpu.memory_space<vmem>>, vector<1x16xf32>,
        %get3A_381 = vector.shape_cast %get3A_380 : vector<1x16xf32> to vector<16xf32>
        %add3A_382 = arith.constant 0 : i32
        %add3A_383 = arith.addi %add3A_382, %scan3A_299 : i32
        %get3A_384 = arith.constant 1 : i32
        %get3A_385 = arith.index_cast %get3A_384 : i32 to index
        %get3A_386 = arith.index_cast %add3A_383 : i32 to index
        %get3A_387 = arith.constant 32 : index
        %get3A_388 = tpu.vector_load %arg7[%get3A_385, %get3A_386, %get3A_387] {strides = array<i32>} : memref<2x400x64xf32, #tpu.memory_space<vmem>>, vector<1x1x16xf32>,
        %get3A_389 = vector.shape_cast %get3A_388 : vector<1x1x16xf32> to vector<16xf32>
        %add3A_390 = arith.addf %get3A_389, %get3A_381 : vector<16xf32>
        %swap3A_391 = arith.constant 1 : i32
        %swap3A_392 = arith.constant 0 : i32
        %swap3A_393 = arith.index_cast %swap3A_391 : i32 to index
        %swap3A_394 = arith.index_cast %swap3A_392 : i32 to index
        %swap3A_395 = arith.index_cast %scan3A_299 : i32 to index
        %swap3A_396 = arith.constant 32 : index
        %swap3A_397 = tpu.vector_load %arg8[%swap3A_393, %swap3A_394, %swap3A_395, %swap3A_396] {strides = array<i32>} : memref<2x2x200x64xf32, #tpu.memory_space<vmem>>, vector<1x1x1x16xf32>,
        %swap3A_398 = vector.shape_cast %swap3A_397 : vector<1x1x1x16xf32> to vector<16xf32>
        %swap3A_399 = vector.shape_cast %add3A_390 : vector<16xf32> to vector<1x1x1x16xf32>
        tpu.vector_store %arg8[%swap3A_393, %swap3A_394, %swap3A_395, %swap3A_396], %swap3A_399 {strides = array<i32>} : memref<2x2x200x64xf32, #tpu.memory_space<vmem>>, vector<1x1x1x16xf32>,
        %add3A_400 = arith.constant 200 : i32
        %add3A_401 = arith.addi %add3A_400, %scan3A_299 : i32
        %get3A_402 = arith.constant 1 : i32
        %get3A_403 = arith.index_cast %get3A_402 : i32 to index
        %get3A_404 = arith.index_cast %add3A_401 : i32 to index
        %get3A_405 = arith.constant 32 : index
        %get3A_406 = tpu.vector_load %arg7[%get3A_403, %get3A_404, %get3A_405] {strides = array<i32>} : memref<2x400x64xf32, #tpu.memory_space<vmem>>, vector<1x1x16xf32>,
        %get3A_407 = vector.shape_cast %get3A_406 : vector<1x1x16xf32> to vector<16xf32>
        %add3A_408 = arith.addf %get3A_407, %get3A_381 : vector<16xf32>
        %swap3A_409 = arith.constant 1 : i32
        %swap3A_410 = arith.constant 1 : i32
        %swap3A_411 = arith.index_cast %swap3A_409 : i32 to index
        %swap3A_412 = arith.index_cast %swap3A_410 : i32 to index
        %swap3A_413 = arith.index_cast %scan3A_299 : i32 to index
        %swap3A_414 = arith.constant 32 : index
        %swap3A_415 = tpu.vector_load %arg8[%swap3A_411, %swap3A_412, %swap3A_413, %swap3A_414] {strides = array<i32>} : memref<2x2x200x64xf32, #tpu.memory_space<vmem>>, vector<1x1x1x16xf32>,
        %swap3A_416 = vector.shape_cast %swap3A_415 : vector<1x1x1x16xf32> to vector<16xf32>
        %swap3A_417 = vector.shape_cast %add3A_408 : vector<16xf32> to vector<1x1x1x16xf32>
        tpu.vector_store %arg8[%swap3A_411, %swap3A_412, %swap3A_413, %swap3A_414], %swap3A_417 {strides = array<i32>} : memref<2x2x200x64xf32, #tpu.memory_space<vmem>>, vector<1x1x1x16xf32>,
        %get3A_418 = arith.index_cast %scan3A_299 : i32 to index
        %get3A_419 = arith.constant 48 : index
        %get3A_420 = tpu.vector_load %arg9[%get3A_418, %get3A_419] {strides = array<i32>} : memref<200x64xf32, #tpu.memory_space<vmem>>, vector<1x16xf32>,
        %get3A_421 = vector.shape_cast %get3A_420 : vector<1x16xf32> to vector<16xf32>
        %add3A_422 = arith.constant 0 : i32
        %add3A_423 = arith.addi %add3A_422, %scan3A_299 : i32
        %get3A_424 = arith.constant 1 : i32
        %get3A_425 = arith.index_cast %get3A_424 : i32 to index
        %get3A_426 = arith.index_cast %add3A_423 : i32 to index
        %get3A_427 = arith.constant 48 : index
        %get3A_428 = tpu.vector_load %arg7[%get3A_425, %get3A_426, %get3A_427] {strides = array<i32>} : memref<2x400x64xf32, #tpu.memory_space<vmem>>, vector<1x1x16xf32>,
        %get3A_429 = vector.shape_cast %get3A_428 : vector<1x1x16xf32> to vector<16xf32>
        %add3A_430 = arith.addf %get3A_429, %get3A_421 : vector<16xf32>
        %swap3A_431 = arith.constant 1 : i32
        %swap3A_432 = arith.constant 0 : i32
        %swap3A_433 = arith.index_cast %swap3A_431 : i32 to index
        %swap3A_434 = arith.index_cast %swap3A_432 : i32 to index
        %swap3A_435 = arith.index_cast %scan3A_299 : i32 to index
        %swap3A_436 = arith.constant 48 : index
        %swap3A_437 = tpu.vector_load %arg8[%swap3A_433, %swap3A_434, %swap3A_435, %swap3A_436] {strides = array<i32>} : memref<2x2x200x64xf32, #tpu.memory_space<vmem>>, vector<1x1x1x16xf32>,
        %swap3A_438 = vector.shape_cast %swap3A_437 : vector<1x1x1x16xf32> to vector<16xf32>
        %swap3A_439 = vector.shape_cast %add3A_430 : vector<16xf32> to vector<1x1x1x16xf32>
        tpu.vector_store %arg8[%swap3A_433, %swap3A_434, %swap3A_435, %swap3A_436], %swap3A_439 {strides = array<i32>} : memref<2x2x200x64xf32, #tpu.memory_space<vmem>>, vector<1x1x1x16xf32>,
        %add3A_440 = arith.constant 200 : i32
        %add3A_441 = arith.addi %add3A_440, %scan3A_299 : i32
        %get3A_442 = arith.constant 1 : i32
        %get3A_443 = arith.index_cast %get3A_442 : i32 to index
        %get3A_444 = arith.index_cast %add3A_441 : i32 to index
        %get3A_445 = arith.constant 48 : index
        %get3A_446 = tpu.vector_load %arg7[%get3A_443, %get3A_444, %get3A_445] {strides = array<i32>} : memref<2x400x64xf32, #tpu.memory_space<vmem>>, vector<1x1x16xf32>,
        %get3A_447 = vector.shape_cast %get3A_446 : vector<1x1x16xf32> to vector<16xf32>
        %add3A_448 = arith.addf %get3A_447, %get3A_421 : vector<16xf32>
        %swap3A_449 = arith.constant 1 : i32
        %swap3A_450 = arith.constant 1 : i32
        %swap3A_451 = arith.index_cast %swap3A_449 : i32 to index
        %swap3A_452 = arith.index_cast %swap3A_450 : i32 to index
        %swap3A_453 = arith.index_cast %scan3A_299 : i32 to index
        %swap3A_454 = arith.constant 48 : index
        %swap3A_455 = tpu.vector_load %arg8[%swap3A_451, %swap3A_452, %swap3A_453, %swap3A_454] {strides = array<i32>} : memref<2x2x200x64xf32, #tpu.memory_space<vmem>>, vector<1x1x1x16xf32>,
        %swap3A_456 = vector.shape_cast %swap3A_455 : vector<1x1x1x16xf32> to vector<16xf32>
        %swap3A_457 = vector.shape_cast %add3A_448 : vector<16xf32> to vector<1x1x1x16xf32>
        tpu.vector_store %arg8[%swap3A_451, %swap3A_452, %swap3A_453, %swap3A_454], %swap3A_457 {strides = array<i32>} : memref<2x2x200x64xf32, #tpu.memory_space<vmem>>, vector<1x1x1x16xf32>,
      }
      %scan3A_276 = arith.constant 200 : i32
      %mul3A_277 = arith.constant 128 : i32
      %mul3A_278 = arith.muli %add3A, %mul3A_277 : i32
      %mul3A_279 = arith.constant 2 : i32
      %mul3A_280 = arith.muli %add3A_201, %mul3A_279 : i32
      %add3A_281 = arith.addi %mul3A_278, %mul3A_280 : i32
      %dma_start3A_282 = arith.constant 1 : i32
      %dma_start3A_283 = arith.constant 0 : i32
      %dma_start3A_284 = arith.constant 0 : i32
      %dma_start3A_285 = arith.constant 0 : i32
      %dma_start3A_286 = tpu.memref_slice %arg8[%dma_start3A_282, %dma_start3A_283, %dma_start3A_284, %dma_start3A_285] : memref<2x2x200x64xf32, #tpu.memory_space<vmem>> -> memref<1x2x200x64xf32, #tpu.memory_space<vmem>>
      %dma_start3A_287 = tpu.memref_squeeze %dma_start3A_286 : memref<1x2x200x64xf32, #tpu.memory_space<vmem>> -> memref<2x200x64xf32, #tpu.memory_space<vmem>>
      %dma_start3A_288 = arith.constant 0 : i32
      %dma_start3A_289 = arith.constant 0 : i32
      %dma_start3A_290 = tpu.memref_slice %arg5[%add3A_281, %dma_start3A_288, %dma_start3A_289] : memref<4096x200x64xf32, #tpu.memory_space<hbm>> -> memref<2x200x64xf32, #tpu.memory_space<hbm>>
      %dma_start3A_291 = arith.constant 0 : i32
      %dma_start3A_292 = arith.constant 0 : i32
      %dma_start3A_293 = tpu.memref_slice %arg5[%add3A_281, %dma_start3A_291, %dma_start3A_292] : memref<4096x200x64xf32, #tpu.memory_space<hbm>> -> memref<2x200x64xf32, #tpu.memory_space<hbm>>
      %dma_start3A_294 = arith.constant 0 : i32
      %dma_start3A_295 = arith.constant 0 : i32
      %dma_start3A_296 = arith.constant 0 : i32
      %dma_start3A_297 = tpu.memref_slice %arg8[%dma_start3A_282, %dma_start3A_294, %dma_start3A_295, %dma_start3A_296] : memref<2x2x200x64xf32, #tpu.memory_space<vmem>> -> memref<1x2x200x64xf32, #tpu.memory_space<vmem>>
      %dma_start3A_298 = tpu.memref_squeeze %dma_start3A_297 : memref<1x2x200x64xf32, #tpu.memory_space<vmem>> -> memref<2x200x64xf32, #tpu.memory_space<vmem>>
      tpu.enqueue_dma source(%dma_start3A_298 : memref<2x200x64xf32, #tpu.memory_space<vmem>>) target(%dma_start3A_293 : memref<2x200x64xf32, #tpu.memory_space<hbm>>) target_semaphore(%arg13 : memref<!tpu.dma_semaphore, #tpu.memory_space<semaphore_mem>>)
    }
    %scan3A_60 = arith.constant 32 : i32
    %mul3A_61 = arith.constant 128 : i32
    %mul3A_62 = arith.muli %add3A, %mul3A_61 : i32
    %add3A_63 = arith.constant 124 : i32
    %add3A_64 = arith.addi %mul3A_62, %add3A_63 : i32
    %dma_wait3A = arith.constant 0 : i32
    %dma_wait3A_65 = arith.constant 0 : i32
    %dma_wait3A_66 = arith.constant 0 : i32
    %dma_wait3A_67 = arith.constant 0 : i32
    %dma_wait3A_68 = tpu.memref_slice %arg8[%dma_wait3A, %dma_wait3A_65, %dma_wait3A_66, %dma_wait3A_67] : memref<2x2x200x64xf32, #tpu.memory_space<vmem>> -> memref<1x2x200x64xf32, #tpu.memory_space<vmem>>
    %dma_wait3A_69 = tpu.memref_squeeze %dma_wait3A_68 : memref<1x2x200x64xf32, #tpu.memory_space<vmem>> -> memref<2x200x64xf32, #tpu.memory_space<vmem>>
    %dma_wait3A_70 = arith.constant 0 : i32
    %dma_wait3A_71 = arith.constant 0 : i32
    %dma_wait3A_72 = tpu.memref_slice %arg5[%add3A_64, %dma_wait3A_70, %dma_wait3A_71] : memref<4096x200x64xf32, #tpu.memory_space<hbm>> -> memref<2x200x64xf32, #tpu.memory_space<hbm>>
    %dma_wait3A_73 = arith.constant 0 : i32
    %dma_wait3A_74 = arith.constant 0 : i32
    %dma_wait3A_75 = tpu.memref_slice %arg5[%add3A_64, %dma_wait3A_73, %dma_wait3A_74] : memref<4096x200x64xf32, #tpu.memory_space<hbm>> -> memref<2x200x64xf32, #tpu.memory_space<hbm>>
    %dma_wait3A_76 = arith.constant 0 : i32
    %dma_wait3A_77 = arith.constant 0 : i32
    %dma_wait3A_78 = arith.constant 0 : i32
    %dma_wait3A_79 = tpu.memref_slice %arg8[%dma_wait3A, %dma_wait3A_76, %dma_wait3A_77, %dma_wait3A_78] : memref<2x2x200x64xf32, #tpu.memory_space<vmem>> -> memref<1x2x200x64xf32, #tpu.memory_space<vmem>>
    %dma_wait3A_80 = tpu.memref_squeeze %dma_wait3A_79 : memref<1x2x200x64xf32, #tpu.memory_space<vmem>> -> memref<2x200x64xf32, #tpu.memory_space<vmem>>
    tpu.wait_dma2 semaphore(%arg12 : memref<!tpu.dma_semaphore, #tpu.memory_space<semaphore_mem>>) src(%dma_wait3A_80 : memref<2x200x64xf32, #tpu.memory_space<vmem>>) dst(%dma_wait3A_75 : memref<2x200x64xf32, #tpu.memory_space<hbm>>)
    %mul3A_81 = arith.constant 128 : i32
    %mul3A_82 = arith.muli %add3A, %mul3A_81 : i32
    %add3A_83 = arith.constant 126 : i32
    %add3A_84 = arith.addi %mul3A_82, %add3A_83 : i32
    %dma_wait3A_85 = arith.constant 1 : i32
    %dma_wait3A_86 = arith.constant 0 : i32
    %dma_wait3A_87 = arith.constant 0 : i32
    %dma_wait3A_88 = arith.constant 0 : i32
    %dma_wait3A_89 = tpu.memref_slice %arg8[%dma_wait3A_85, %dma_wait3A_86, %dma_wait3A_87, %dma_wait3A_88] : memref<2x2x200x64xf32, #tpu.memory_space<vmem>> -> memref<1x2x200x64xf32, #tpu.memory_space<vmem>>
    %dma_wait3A_90 = tpu.memref_squeeze %dma_wait3A_89 : memref<1x2x200x64xf32, #tpu.memory_space<vmem>> -> memref<2x200x64xf32, #tpu.memory_space<vmem>>
    %dma_wait3A_91 = arith.constant 0 : i32
    %dma_wait3A_92 = arith.constant 0 : i32
    %dma_wait3A_93 = tpu.memref_slice %arg5[%add3A_84, %dma_wait3A_91, %dma_wait3A_92] : memref<4096x200x64xf32, #tpu.memory_space<hbm>> -> memref<2x200x64xf32, #tpu.memory_space<hbm>>
    %dma_wait3A_94 = arith.constant 0 : i32
    %dma_wait3A_95 = arith.constant 0 : i32
    %dma_wait3A_96 = tpu.memref_slice %arg5[%add3A_84, %dma_wait3A_94, %dma_wait3A_95] : memref<4096x200x64xf32, #tpu.memory_space<hbm>> -> memref<2x200x64xf32, #tpu.memory_space<hbm>>
    %dma_wait3A_97 = arith.constant 0 : i32
    %dma_wait3A_98 = arith.constant 0 : i32
    %dma_wait3A_99 = arith.constant 0 : i32
    %dma_wait3A_100 = tpu.memref_slice %arg8[%dma_wait3A_85, %dma_wait3A_97, %dma_wait3A_98, %dma_wait3A_99] : memref<2x2x200x64xf32, #tpu.memory_space<vmem>> -> memref<1x2x200x64xf32, #tpu.memory_space<vmem>>
    %dma_wait3A_101 = tpu.memref_squeeze %dma_wait3A_100 : memref<1x2x200x64xf32, #tpu.memory_space<vmem>> -> memref<2x200x64xf32, #tpu.memory_space<vmem>>
    tpu.wait_dma2 semaphore(%arg13 : memref<!tpu.dma_semaphore, #tpu.memory_space<semaphore_mem>>) src(%dma_wait3A_101 : memref<2x200x64xf32, #tpu.memory_space<vmem>>) dst(%dma_wait3A_96 : memref<2x200x64xf32, #tpu.memory_space<hbm>>)
    return
  }
}

</mosaic_0001>

<sc_bundles>
// kernel: _embed_sc.3.cloned.1.call-start
scs
__scs_entry_jumppad:
0x0: {  	(pc) =	sbr.rel $0x88, $3  }
0x1: {  	(tag) =	ssettag $0x0;
	lr =	simm.s32 $0x1  }
0x2: {  	[smem:$0x3F9E] =	sst lr;
	_ =	strace $0xD0000000  }
0x3: {  	_ = 	snop  }
0x4: {  	_ = 	snop  }
0x5: {  	_ = 	snop  }
0x6: {  	_ = 	snop  }
0x7: {  	_ = 	snop  }
__scs_overlays_trampoline_lowered:
0x8: {  	[smem:$0x3FAD] =	sst s0  }
0x9: {  	[smem:$0x3FAE] =	sst s1  }
0xa: {  	[smem:$0x3FAF] =	sst s2  }
0xb: {  	[smem:$0x3FB0] =	sst s3  }
0xc: {  	[smem:$0x3FB1] =	sst s4  }
0xd: {  	[smem:$0x3FB2] =	sst s5  }
0xe: {  	[smem:$0x3FB3] =	sst s6  }
0xf: {  	[smem:$0x3FB4] =	sst s7  }
0x10: {  	[smem:$0x3FB5] =	sst s8  }
0x11: {  	[smem:$0x3FB6] =	sst s9;
	s0 =	simm.s32 @!p0 $0x0  }
0x12: {  	s1 =	sld [smem:$0x3F9C];
	s0 =	simm.s32 @p0 $0x1  }
0x13: {  	[smem:$0x3FB7] =	sst s0;
	s0 =	simm.s32 @!p1 $0x0  }
0x14: {  	s2 =	sld [smem:$0x3F9B];
	s0 =	simm.s32 @p1 $0x1  }
0x15: {  	[smem:$0x3FB8] =	sst s0;
	s0 =	simm.s32 @!p2 $0x0  }
0x16: {  	s3 =	sld [smem:$0x3FDB];
	s0 =	simm.s32 @p2 $0x1  }
0x17: {  	s4 =	simm.s32 $0x1BF5;
	[smem:$0x3FBA] =	sst s0  }
0x18: {  	s0 =	sld [smem:$0x3F9D];
	_ =	swait.ge [sflag:s4], $0x0  }
0x19: {  	s7 =	sld [smem:$0x3F9E]  }
0x1a: {  	s8 =	sadd.s32 $0xFFFFE003, lr  }
0x1b: {  	s9 =	sadd.s32 $0xFFFFFEF7, lr;
	s5 =	simm.s32 $0xFFFFFFFF;
	p2 =	slt.u32 s8, $0xFFFFF086  }
0x1c: {  	p1 =	slt.u32 s9, $0xF7A;
	s5 =	simm.s32 @!p2 $0x0  }
0x1d: {  	s5 =	simm.s32 @p1 $0x1;
	p0 =	seq.s32 s7, s2  }
0x1e: {  	s7 =	smul.u32 @!p0 $0xF7A, s2;
	p2 =	seq.s32 @!p0 s5, $0x0  }
0x1f: {  	s9 =	smul.u32 $0xF7A, s1;
	s8 =	simm.s32 @!p0 $0x1BF5;
	p2 =	por !p2, p0  }
0x20: {  	[sflag:s8] =	ssyncset.s32 @!p0 $0xFFFFF086;
	s6 =	sadd.s32 @!p0 s3, s7;
	s7 =	simm.s32 @!p0 $0x108  }
0x21: {  	s3 =	sadd.s32 s3, s9;
	s6 =	sadd.s32 @!p0 $0x88, s6;
	s7 =	simm.s32 @p2 $0x1082  }
0x22: {  	[simem:s7], [sflag:s8] =	dma.local @!p0 [hbm:s6], $0xF7A  }
0x23: {  	s9 =	sor.u32 $0xD0000000, s2;
	s6 =	simm.s32 $0x108;
	_ =	swait.ge @!p0 [sflag:s8], $0x0  }
0x24: {  	s3 =	sadd.s32 $0x88, s3;
	s6 =	simm.s32 @!p1 $0x1082;
	[sflag:s4] =	ssyncset.s32 $0xFFFFF086  }
0x25: {  	[simem:s6], [sflag:s4] =	dma.local [hbm:s3], $0xF7A  }
0x26: {  	[smem:$0x3F9E] =	sst s1;
	(tag) =	ssettag s2;
	_ =	strace s9  }
0x27: {  	s1 =	sld [smem:$0x3FAE]  }
0x28: {  	s2 =	sld [smem:$0x3FAF]  }
0x29: {  	s4 =	sld [smem:$0x3FB1]  }
0x2a: {  	p0 =	seq.s32 s5, $0x0;
	s5 =	sld [smem:$0x3FB2]  }
0x2b: {  	s6 =	sld [smem:$0x3FB3]  }
0x2c: {  	s7 =	sld [smem:$0x3FB4]  }
0x2d: {  	s3 =	simm.s32 $0x108;
	s8 =	sld [smem:$0x3FB5]  }
0x2e: {  	s3 =	simm.s32 @!p0 $0x1082;
	s9 =	sld [smem:$0x3FB6]  }
0x2f: {  	lr =	sadd.s32 s0, s3;
	s0 =	sld [smem:$0x3FAD]  }
0x30: {  	s3 =	sld [smem:$0x3FB0]  }
0x31: {  	[smem:$0x3FB9] =	sst s10  }
0x32: {  	s10 =	sld [smem:$0x3FB7];
	_ =	sdelay $0x3  }
0x33: {  	p0 =	seq.s32 s10, $0x1;
	s10 =	sld [smem:$0x3FB9];
	_ =	sdelay $0x3  }
0x34: {  	[smem:$0x3FB9] =	sst s10  }
0x35: {  	s10 =	sld [smem:$0x3FB8];
	_ =	sdelay $0x3  }
0x36: {  	p1 =	seq.s32 s10, $0x1;
	s10 =	sld [smem:$0x3FB9];
	_ =	sdelay $0x3  }
0x37: {  	[smem:$0x3FB9] =	sst s10  }
0x38: {  	s10 =	sld [smem:$0x3FBA]  }
0x39: {  	_ = 	snop;
	(pc) =	sbr.ind lr, $3  }
0x3a: {  	_ = 	snop  }
0x3b: {  	_ = 	snop  }
0x3c: {  	p2 =	seq.s32 s10, $0x1;
	s10 =	sld [smem:$0x3FB9]  }
0x3d: {  	_ =	shalt  }
0x3e: {  	_ =	shalt  }
0x3f: {  	_ =	shalt  }
0x40: {  	_ =	shalt  }
0x41: {  	_ =	shalt  }
0x42: {  	_ =	shalt  }
0x43: {  	_ =	shalt  }
0x44: {  	_ =	shalt  }
0x45: {  	_ =	shalt  }
0x46: {  	_ =	shalt  }
0x47: {  	_ =	shalt  }
0x48: {  	_ =	shalt  }
0x49: {  	_ =	shalt  }
0x4a: {  	_ =	shalt  }
0x4b: {  	_ =	shalt  }
0x4c: {  	_ =	shalt  }
0x4d: {  	_ =	shalt  }
0x4e: {  	_ =	shalt  }
0x4f: {  	_ =	shalt  }
0x50: {  	_ =	shalt  }
0x51: {  	_ =	shalt  }
0x52: {  	_ =	shalt  }
0x53: {  	_ =	shalt  }
0x54: {  	_ =	shalt  }
0x55: {  	_ =	shalt  }
0x56: {  	_ =	shalt  }
0x57: {  	_ =	shalt  }
0x58: {  	_ =	shalt  }
0x59: {  	_ =	shalt  }
0x5a: {  	_ =	shalt  }
0x5b: {  	_ =	shalt  }
0x5c: {  	_ =	shalt  }
0x5d: {  	_ =	shalt  }
0x5e: {  	_ =	shalt  }
0x5f: {  	_ =	shalt  }
0x60: {  	_ =	shalt  }
0x61: {  	_ =	shalt  }
0x62: {  	_ =	shalt  }
0x63: {  	_ =	shalt  }
0x64: {  	_ =	shalt  }
0x65: {  	_ =	shalt  }
0x66: {  	_ =	shalt  }
0x67: {  	_ =	shalt  }
0x68: {  	_ =	shalt  }
0x69: {  	_ =	shalt  }
0x6a: {  	_ =	shalt  }
0x6b: {  	_ =	shalt  }
0x6c: {  	_ =	shalt  }
0x6d: {  	_ =	shalt  }
0x6e: {  	_ =	shalt  }
0x6f: {  	_ =	shalt  }
0x70: {  	_ =	shalt  }
0x71: {  	_ =	shalt  }
0x72: {  	_ =	shalt  }
0x73: {  	_ =	shalt  }
0x74: {  	_ =	shalt  }
0x75: {  	_ =	shalt  }
0x76: {  	_ =	shalt  }
0x77: {  	_ =	shalt  }
0x78: {  	_ =	shalt  }
0x79: {  	_ =	shalt  }
0x7a: {  	_ =	shalt  }
0x7b: {  	_ =	shalt  }
0x7c: {  	_ =	shalt  }
0x7d: {  	_ =	shalt  }
0x7e: {  	_ =	shalt  }
0x7f: {  	_ =	shalt  }
0x80: {  	_ =	shalt  }
0x81: {  	_ =	shalt  }
0x82: {  	_ =	shalt  }
0x83: {  	_ =	shalt  }
0x84: {  	_ =	shalt  }
0x85: {  	_ =	shalt  }
0x86: {  	_ =	shalt  }
0x87: {  	_ =	shalt  }
.Lfunc_end0:
.L_simem_size_0:
called_computation.1_lowered:
.L_overlay_start_0:
0x88: {  	s2 =	sld [smem:$0x3FD9]  }
0x89: {  	s3 =	sld [smem:$0x3FFE];
	_ =	sdelay $0x1  }
0x8a: {  	s1 =	srdreg.scid  }
0x8b: {  	s0 =	sand.u32 $0x1, s1  }
0x8c: {  	s17 =	sshll.u32 s0, $0xA;
	s2 =	sadd.s32 s3, s2  }
0x8d: {  	s2 =	sadd.s32 s2, s17  }
0x8e: {  	[smem:$0x3FC5] =	sst s2  }
0x8f: {  	_ = 	snop  }
0x90: {  	s2 =	sld [smem:$0x3FD0];
	(tm) =	ssettm $0x1  }
0x91: {  	s18 =	sld [smem:$0x3FFB];
	_ =	sdelay $0x3  }
0x92: {  	_ =	strace s18  }
0x93: {  	s3 =	sld [smem:$0x3FFC];
	_ =	sdelay $0x3  }
0x94: {  	_ =	strace s3  }
0x95: {  	s3 =	sld [smem:$0x3FFD];
	_ =	sdelay $0x3  }
0x96: {  	_ =	strace s3  }
0x97: {  	_ =	strace $0x8FFFFFFF  }
0x98: {  	s19 =	sld [smem:$0x3FDB];
	_ =	sdelay $0x1  }
0x99: {  	s4 =	simm.s32 $_scs_section_size  }
0x9a: {  	s5 =	simm.s32 $_size__tile_overlayer_lowered;
	s6 =	simm.s32 $_tile_overlayer_lowered  }
0x9b: {  	s22 =	simm.s32 $0x1BFF;
	s21 =	sshll.u32 s6, $0x1;
	s3 =	sadd.s32 s4, s19  }
0x9c: {  	s7 =	simm.s32 $0x0;
	s20 =	sshll.u32 s5, $0x1;
	s5 =	sadd.s32 s21, s3  }
0x9d: {  	[timem:s7], [sflag:s22] =	dma.local [hbm:s5], s20  }
0x9e: {  	_ =	swait.ge [sflag:s22], s20  }
0x9f: {  	s4 =	ssub.s32 $0x0, s20;
	[sflag:s22] =	ssyncset.done $0x0  }
0xa0: {  	[sflag:s22] =	ssyncadd.s32 s4;
	_ =	sdelay $0x1  }
0xa1: {  	s23 =	simm.s32 $0x1B8B  }
0xa2: {  	_ =	swait.ge [sflag:s23], $0x1  }
0xa3: {  	[sflag:s23] =	ssyncset.done $0x0  }
0xa4: {  	s25 =	simm.s32 $0x1B8E;
	s24 =	sld [smem:$0x3FFE];
	[sflag:s23] =	ssyncadd.s32 $0xFFFFFFFF  }
0xa5: {  	s26 =	simm.s32 $execute0_lowered;
	[smem:$0x3FD2] =	sst s25  }
0xa6: {  	s5 =	sshll.u32 s26, $0x1;
	_ =	strace $0x80000046;
	[dreg:$0x1] =	wrdreg $0xFFFFFFFF  }
0xa7: {  	s28 =	simm.s32 $_size_execute0_lowered;
	s3 =	sadd.s32 s3, s5;
	[dreg:$0x0] =	wrdreg $0x0  }
0xa8: {  	s5 =	sshll.u32 s28, $0x1;
	[dreg:$0x2] =	wrdreg s3  }
0xa9: {  	[dreg:$0x3] =	wrdreg s5  }
0xaa: {  	[dreg:$0x4] =	wrdreg $0xC0  }
0xab: {  	_ =	task [dreg:s7], $0x5FFFF  }
0xac: {  	[dreg:$0x1] =	wrdreg $0xFFFFFFFF  }
0xad: {  	[dreg:$0x0] =	wrdreg $0x60  }
0xae: {  	[dreg:$0x2] =	wrdreg s24  }
0xaf: {  	[dreg:$0x3] =	wrdreg s2  }
0xb0: {  	[dreg:$0x4] =	wrdreg $0x9  }
0xb1: {  	_ =	task.clear_ibuf [dreg:s7], $0x5FFFF;
	_ =	strace $0x90000046  }
0xb2: {  	s29 =	simm.s32 $0x9;
	_ =	strace $0x80000048  }
0xb3: {  	_ =	swait.ge [sflag:s29], $0x1  }
0xb4: {  	[sflag:s29] =	ssyncadd.s32 $0xFFFFFFFF  }
0xb5: {  	_ =	strace $0x90000048  }
0xb6: {  	_ =	sfence  }
0xb7: {  	s30 =	sld [smem:$0x0];
	_ =	sdelay $0x2  }
0xb8: {  	s31 =	sshll.u32 s1, $0xD;
	s1 =	sshrl.u32 s1, $0x2  }
0xb9: {  	s3 =	sand.u32 $0x4000, s31;
	s1 =	sadd.s32 s1, s30  }
0xba: {  	s0 =	sor.u32 s3, s0;
	s1 =	sshll.u32 s1, $0x11  }
0xbb: {  	s0 =	sor.u32 s1, s0  }
0xbc: {  	s0 =	sadd.s32 $0x8F2B, s0  }
0xbd: {  	[sflag:s0] =	ssyncadd.remote.s32 $0x1  }
0xbe: {  	_ =	sfence.sel $0xFFFF  }
0xbf: {  	[dreg:$0x0] =	wrdreg $0xFFFFFFFF;
	(pc) =	sbr.abs _section_cstart, $3  }
0xc0: {  	[dreg:$0x1] =	wrdreg $0xFFFFFFFF  }
0xc1: {  	_ =	task.clear_ibuf [dreg:s7], $0x2FFFF;
	_ =	strace $0x9FFFFFFF  }
0xc2: {  	(tm) =	ssettm $0x7FFFFFFF  }
0xc3: {  	_ =	shalt  }
tec
execute0_lowered:
.L_overlay_start_1:
0x0: {  	(tag) =	ssettag $0x1  }
0x1: {  	s0 =	rddreg [dreg:$0x0]  }
0x2: {  	s2 =	rddreg [dreg:$0x1];
	s3 =	simm.s32 $0x0;
	s1 =	srdreg.scid  }
0x3: {  	s4 =	stileid.u32;
	s13 =	simm.s32 $0x5;
	s14 =	simm.s32 $0x64  }
0x4: {  	s22 =	simm.s32 $0x1A0;
	s23 =	simm.s32 $0x6740;
	s24 =	simm.s32 $0x208  }
0x5: {  	s25 =	simm.s32 $0x8040;
	s28 =	simm.s32 $0x9940;
	s29 =	simm.s32 $0x2D8  }
0x6: {  	s30 =	simm.s32 $0xB240;
	s31 =	simm.s32 $0x1;
	s12 =	simm.s32 $0x12F40  }
0x7: {  	s15 =	simm.s32 $0x3;
	s16 =	simm.s32 $0x4;
	s17 =	simm.s32 $0x0  }
0x8: {  	[smem:$0x7FF] =	sst s3;
	s1 =	sand.u32 $0x1, s1;
	s4 =	sshll.u32 s4, $0x1  }
0x9: {  	s5 =	sadd.s32 $0x1B000, s0;
	_ =	strace $0x80000047;
	s6 =	ssub.s32 $0x2, s1  }
0xa: {  	s1 =	sor.u32 s1, s4;
	s4 =	sadd.s32 $0x1000, s0;
	s0 =	sadd.s32 $0x800, s0  }
0xb: {  	s7 =	sshrl.u32 s6, $0x1;
	s8 =	smul.u32 $0xD00, s1;
	[dreg:$0x3] =	wrdreg s0  }
0xc: {  	s9 =	sshll.u32 s1, $0x7;
	s0 =	simm.s32 $0xCB40;
	s26 =	ssub.s32 s6, s7  }
0xd: {  	s7 =	sshll.u32 s1, $0x8;
	s1 =	simm.s32 $0x2;
	s8 =	sadd.s32 s4, s8  }
0xe: {  	s10 =	sor.u32 $0x8, s7;
	s11 =	smax.u32 s26, $0x1;
	s26 =	simm.s32 $0x270  }
.LBB2_1:
0xf: {  	s6 =	rddreg [dreg:$0x3];
	s18 =	simm.s32 $0x19340  }
0x10: {  	[tilespmem:s18], [sflag:$0x5] =	stream.linear.gather [hbm4b:s6+s3], $0x3200, $0x38;
	[tilespmem:$0x1C540] =	vst v63  }
0x11: {  	_ =	swait.ge [sflag:s13], $0x3200  }
0x12: {  	[sflag:s13] =	ssyncset.done $0x0  }
0x13: {  	[sflag:s13] =	ssyncadd.s32 $0xFFFFCE00  }
0x14: {  	[tilespmem:s3], [sflag:$0x5] =	stream.linear.gather [hbm4b:s8+s3], $0x1A0, $0x38;
	[tilespmem:$0x1C540] =	vst v63  }
0x15: {  	_ =	swait.ge [sflag:s13], $0x1A0  }
0x16: {  	[sflag:s13] =	ssyncset.done $0x0  }
0x17: {  	s19 =	simm.s32 $0x340;
	[sflag:s13] =	ssyncadd.s32 $0xFFFFFE60  }
0x18: {  	[tilespmem:s19], [sflag:$0x1] =	stream.indirect.gather [hbm4b:s5+s14], $0x40, s3, s14, $0xb8;
	[tilespmem:$0x1C540] =	vst v63  }
0x19: {  	s20 =	simm.s32 $0x68;
	s21 =	simm.s32 $0x1C40  }
0x1a: {  	[tilespmem:s21], [sflag:$0x1] =	stream.indirect.gather [hbm4b:s5+s14], $0x40, s20, s14, $0xb8;
	[tilespmem:$0x1C540] =	vst v63  }
0x1b: {  	s18 =	simm.s32 $0xD0;
	s19 =	simm.s32 $0x3540  }
0x1c: {  	[tilespmem:s19], [sflag:$0x1] =	stream.indirect.gather [hbm4b:s5+s14], $0x40, s18, s14, $0xb8;
	[tilespmem:$0x1C540] =	vst v63  }
0x1d: {  	s20 =	simm.s32 $0x138;
	s21 =	simm.s32 $0x4E40;
	s18 =	simm.s32 $0x0  }
0x1e: {  	[tilespmem:s21], [sflag:$0x1] =	stream.indirect.gather [hbm4b:s5+s14], $0x40, s20, s14, $0xb8;
	[tilespmem:$0x1C540] =	vst v63  }
.LBB2_2:
0x1f: {  	s19 =	sshllo.u32 s18, $0x1  }
0x20: {  	s6 =	sshll.u32 s19, $0x2  }
0x21: {  	s6 =	sadd.s32 s7, s6  }
0x22: {  	s6 =	smul.u32 $0xD, s6;
	_ =	sdelay $0x1  }
0x23: {  	s6 =	sadd.s32 s4, s6  }
0x24: {  	[tilespmem:s22], [sflag:$0x5] =	stream.linear.gather [hbm4b:s6+s3], $0x1A0, $0x38;
	[tilespmem:$0x1C540] =	vst v63  }
0x25: {  	_ =	swait.ge [sflag:s13], $0x1A0  }
0x26: {  	[sflag:s13] =	ssyncset.done $0x0  }
0x27: {  	[sflag:s13] =	ssyncadd.s32 $0xFFFFFE60  }
0x28: {  	[tilespmem:s23], [sflag:$0x2] =	stream.indirect.gather [hbm4b:s5+s14], $0x40, s22, s14, $0xb8;
	[tilespmem:$0x1C540] =	vst v63  }
0x29: {  	_ = 	snop  }
0x2a: {  	[tilespmem:s25], [sflag:$0x2] =	stream.indirect.gather [hbm4b:s5+s14], $0x40, s24, s14, $0xb8;
	[tilespmem:$0x1C540] =	vst v63  }
0x2b: {  	_ = 	snop  }
0x2c: {  	[tilespmem:s28], [sflag:$0x2] =	stream.indirect.gather [hbm4b:s5+s14], $0x40, s26, s14, $0xb8;
	[tilespmem:$0x1C540] =	vst v63  }
0x2d: {  	_ = 	snop  }
0x2e: {  	[tilespmem:s30], [sflag:$0x2] =	stream.indirect.gather [hbm4b:s5+s14], $0x40, s29, s14, $0xb8;
	[tilespmem:$0x1C540] =	vst v63  }
0x2f: {  	_ =	swait.ge [sflag:s31], $0x1900  }
0x30: {  	[sflag:s31] =	ssyncset.done $0x0  }
0x31: {  	[sflag:s31] =	ssyncadd.s32 $0xFFFFE700  }
0x32: {  	_ =	swait.ge [sflag:s31], $0x1900  }
0x33: {  	[sflag:s31] =	ssyncset.done $0x0  }
0x34: {  	[sflag:s31] =	ssyncadd.s32 $0xFFFFE700  }
0x35: {  	_ =	swait.ge [sflag:s31], $0x1900  }
0x36: {  	[sflag:s31] =	ssyncset.done $0x0  }
0x37: {  	[sflag:s31] =	ssyncadd.s32 $0xFFFFE700  }
0x38: {  	_ =	swait.ge [sflag:s31], $0x1900  }
0x39: {  	p0 =	seq.s32 s18, $0x0;
	[sflag:s31] =	ssyncset.done $0x0  }
0x3a: {  	s6 =	simm.s32 @!p0 $0x3;
	[sflag:s31] =	ssyncadd.s32 $0xFFFFE700  }
0x3b: {  	_ =	swait.ge @!p0 [sflag:s6], $0x6400  }
0x3c: {  	[sflag:s6] =	ssyncset.done @!p0 $0x0  }
0x3d: {  	s20 =	simm.s32 $0x0;
	[sflag:s6] =	ssyncadd.s32 @!p0 $0xFFFF9C00  }
0x3e: {  	v0 =	vld [tilespmem:s20+$0x19370]  }
0x3f: {  	v1 =	vld [tilespmem:s20+$0x3570]  }
0x40: {  	v4 =	vld [tilespmem:s20+$0x19340]  }
0x41: {  	v3 =	vld [tilespmem:s20+$0x340]  }
0x42: {  	v5 =	vld [tilespmem:s20+$0x3540]  }
0x43: {  	v7 =	vld [tilespmem:s20+$0x19350]  }
0x44: {  	v6 =	vld [tilespmem:s20+$0x350]  }
0x45: {  	v8 =	vld [tilespmem:s20+$0x3550];
	v1 =	vadd.f32 v1, v0  }
0x46: {  	v2 =	vld [tilespmem:s20+$0x19360];
	v9 =	vadd.f32 v3, v4  }
0x47: {  	v3 =	vld [tilespmem:s20+$0x360];
	[tilespmem:s20+$0xFD70] =	vst v1;
	v1 =	vadd.f32 v5, v4  }
0x48: {  	[tilespmem:s20+$0xCB40] =	vst v9;
	v4 =	vld [tilespmem:s20+$0x3560]  }
0x49: {  	s21 =	simm.s32 $0x40;
	v6 =	vadd.f32 v6, v7;
	v5 =	vld [tilespmem:s20+$0x370];
	[tilespmem:s20+$0xFD40] =	vst v1  }
0x4a: {  	s6 =	simm.s32 $0x200;
	v7 =	vadd.f32 v8, v7;
	v1 =	vld [tilespmem:s21+$0x19370]  }
.LBB2_3:
0x4b: {  	p1 =	sne.s32 s6, $0xC700;
	v8 =	vld [tilespmem:s21+$0x3570];
	[tilespmem:s20+$0xCB50] =	vst v6  }
0x4c: {  	v6 =	vld [tilespmem:s21+$0x19340];
	[tilespmem:s20+$0xFD50] =	vst v7;
	v3 =	vadd.f32 v3, v2  }
0x4d: {  	v7 =	vld [tilespmem:s21+$0x340];
	v2 =	vadd.f32 v4, v2  }
0x4e: {  	v4 =	vld [tilespmem:s21+$0x3540];
	[tilespmem:s20+$0xCB60] =	vst v3;
	v3 =	vadd.f32 v5, v0  }
0x4f: {  	v9 =	vld [tilespmem:s21+$0x19350];
	[tilespmem:s20+$0xFD60] =	vst v2;
	v0 =	vmov v1  }
0x50: {  	v1 =	vld [tilespmem:s21+$0x350];
	v5 =	vadd.f32 v8, v0;
	[tilespmem:s20+$0xCB70] =	vst v3;
	s20 =	smov.u32 s21  }
0x51: {  	v8 =	vld [tilespmem:s20+$0x3550]  }
.Ltmp0:
0x52: {  	v7 =	vadd.f32 v7, v6;
	v2 =	vld [tilespmem:s20+$0x19360];
	[tilespmem:s20+$0xFD70] =	vst v5;
	(pc) =	sbr.rel @p1 .LBB2_3-.Ltmp0, $4  }
0x53: {  	v5 =	vadd.f32 v4, v6;
	v3 =	vld [tilespmem:s20+$0x360]  }
0x54: {  	[tilespmem:s20+$0xCB40] =	vst v7;
	v4 =	vld [tilespmem:s20+$0x3560]  }
0x55: {  	s21 =	sshra.s32 s6, $0x2;
	[tilespmem:s20+$0xFD40] =	vst v5;
	v6 =	vadd.f32 v1, v9;
	v5 =	vld [tilespmem:s20+$0x370]  }
0x56: {  	s6 =	sadd.s32 $0x100, s6;
	v1 =	vld [tilespmem:s21+$0x19370];
	v7 =	vadd.f32 v8, v9  }
0x57: {  	v8 =	vld [tilespmem:s21+$0x3570];
	[tilespmem:s20+$0xCB50] =	vst v6  }
0x58: {  	v6 =	vld [tilespmem:s21+$0x19340];
	[tilespmem:s20+$0xFD50] =	vst v7;
	v3 =	vadd.f32 v3, v2  }
0x59: {  	v7 =	vld [tilespmem:s21+$0x340];
	v2 =	vadd.f32 v4, v2  }
0x5a: {  	v9 =	vld [tilespmem:s21+$0x3540];
	[tilespmem:s20+$0xCB60] =	vst v3;
	v0 =	vadd.f32 v5, v0  }
0x5b: {  	v3 =	vld [tilespmem:s21+$0x19350];
	[tilespmem:s20+$0xFD60] =	vst v2  }
0x5c: {  	v2 =	vld [tilespmem:s21+$0x350];
	[tilespmem:s20+$0xCB70] =	vst v0  }
0x5d: {  	v0 =	vadd.f32 v8, v1;
	v4 =	vld [tilespmem:s21+$0x3550]  }
0x5e: {  	v5 =	vld [tilespmem:s21+$0x19360];
	v7 =	vadd.f32 v7, v6  }
0x5f: {  	[tilespmem:s21+$0xFD70] =	vst v0;
	v0 =	vld [tilespmem:s21+$0x360];
	v6 =	vadd.f32 v9, v6  }
0x60: {  	[tilespmem:s21+$0xCB40] =	vst v7;
	v7 =	vld [tilespmem:s21+$0x3560]  }
0x61: {  	[tilespmem:s21+$0xFD40] =	vst v6;
	v6 =	vld [tilespmem:s21+$0x370]  }
0x62: {  	v2 =	vadd.f32 v2, v3  }
0x63: {  	v3 =	vadd.f32 v4, v3  }
0x64: {  	s6 =	sshll.u32 s18, $0x2;
	[tilespmem:s21+$0xCB50] =	vst v2;
	v0 =	vadd.f32 v0, v5  }
0x65: {  	p1 =	seq.s32 s18, $0x1F;
	s6 =	sadd.s32 s9, s6;
	[tilespmem:s21+$0xFD50] =	vst v3;
	v2 =	vadd.f32 v7, v5  }
0x66: {  	s6 =	smul.u32 $0x640, s6;
	s20 =	sshll.u32 @!p1 s18, $0x3;
	[tilespmem:s21+$0xCB60] =	vst v0;
	v0 =	vadd.f32 v6, v1  }
0x67: {  	s20 =	sadd.s32 @!p1 s20, s10;
	[tilespmem:s21+$0xFD60] =	vst v2  }
0x68: {  	s6 =	sadd.s32 s2, s6;
	s20 =	smul.u32 @!p1 $0xD, s20;
	[tilespmem:s21+$0xCB70] =	vst v0  }
0x69: {  	[hbm4b:s6+s3] =	stream.linear.scatter [tilespmem:s0], [sflag:$0x3], $0x6400, $0x38;
	[tilespmem:$0x1C540] =	vst v63  }
0x6a: {  	s6 =	sadd.s32 @!p1 s4, s20;
	s20 =	simm.s32 @!p1 $0x0  }
0x6b: {  	[tilespmem:s20], [sflag:$0x5] =	stream.linear.gather @!p1 [hbm4b:s6+s20], $0x1A0, $0x38;
	[tilespmem:$0x1C540] =	vst v63  }
0x6c: {  	s6 =	simm.s32 @!p1 $0x5  }
0x6d: {  	_ =	swait.ge @!p1 [sflag:s6], $0x1A0  }
0x6e: {  	[sflag:s6] =	ssyncset.done @!p1 $0x0  }
0x6f: {  	s21 =	simm.s32 @!p1 $0x340;
	[sflag:s6] =	ssyncadd.s32 @!p1 $0xFFFFFE60;
	s6 =	simm.s32 @!p1 $0x64  }
0x70: {  	[tilespmem:s21], [sflag:$0x1] =	stream.indirect.gather @!p1 [hbm4b:s5+s6], $0x40, s20, s6, $0xb8;
	[tilespmem:$0x1C540] =	vst v63  }
0x71: {  	s20 =	simm.s32 @!p1 $0x68;
	s21 =	simm.s32 @!p1 $0x1C40  }
0x72: {  	[tilespmem:s21], [sflag:$0x1] =	stream.indirect.gather @!p1 [hbm4b:s5+s6], $0x40, s20, s6, $0xb8;
	[tilespmem:$0x1C540] =	vst v63  }
0x73: {  	s20 =	simm.s32 @!p1 $0xD0;
	s21 =	simm.s32 @!p1 $0x3540  }
0x74: {  	[tilespmem:s21], [sflag:$0x1] =	stream.indirect.gather @!p1 [hbm4b:s5+s6], $0x40, s20, s6, $0xb8;
	[tilespmem:$0x1C540] =	vst v63  }
0x75: {  	s20 =	simm.s32 @!p1 $0x138;
	s21 =	simm.s32 @!p1 $0x4E40  }
0x76: {  	[tilespmem:s21], [sflag:$0x1] =	stream.indirect.gather @!p1 [hbm4b:s5+s6], $0x40, s20, s6, $0xb8;
	[tilespmem:$0x1C540] =	vst v63  }
0x77: {  	_ =	swait.ge [sflag:s1], $0x1900  }
0x78: {  	[sflag:s1] =	ssyncset.done $0x0  }
0x79: {  	[sflag:s1] =	ssyncadd.s32 $0xFFFFE700  }
0x7a: {  	_ =	swait.ge [sflag:s1], $0x1900  }
0x7b: {  	[sflag:s1] =	ssyncset.done $0x0  }
0x7c: {  	[sflag:s1] =	ssyncadd.s32 $0xFFFFE700  }
0x7d: {  	_ =	swait.ge [sflag:s1], $0x1900  }
0x7e: {  	[sflag:s1] =	ssyncset.done $0x0  }
0x7f: {  	[sflag:s1] =	ssyncadd.s32 $0xFFFFE700  }
0x80: {  	_ =	swait.ge [sflag:s1], $0x1900  }
0x81: {  	[sflag:s1] =	ssyncset.done $0x0  }
0x82: {  	s6 =	simm.s32 @!p0 $0x4;
	[sflag:s1] =	ssyncadd.s32 $0xFFFFE700  }
0x83: {  	_ =	swait.ge @!p0 [sflag:s6], $0x6400  }
0x84: {  	[sflag:s6] =	ssyncset.done @!p0 $0x0  }
0x85: {  	s20 =	simm.s32 $0x0;
	[sflag:s6] =	ssyncadd.s32 @!p0 $0xFFFF9C00  }
0x86: {  	v0 =	vld [tilespmem:s20+$0x19370]  }
0x87: {  	v1 =	vld [tilespmem:s20+$0x9970]  }
0x88: {  	v4 =	vld [tilespmem:s20+$0x19340]  }
0x89: {  	v3 =	vld [tilespmem:s20+$0x6740]  }
0x8a: {  	v5 =	vld [tilespmem:s20+$0x9940]  }
0x8b: {  	v7 =	vld [tilespmem:s20+$0x19350]  }
0x8c: {  	v6 =	vld [tilespmem:s20+$0x6750]  }
0x8d: {  	v8 =	vld [tilespmem:s20+$0x9950];
	v1 =	vadd.f32 v1, v0  }
0x8e: {  	v2 =	vld [tilespmem:s20+$0x19360];
	v63 =	vadd.f32 v3, v4  }
0x8f: {  	v3 =	vld [tilespmem:s20+$0x6760];
	[tilespmem:s20+$0x16170] =	vst v1;
	v1 =	vadd.f32 v5, v4  }
0x90: {  	[tilespmem:s20+$0x12F40] =	vst v63;
	v4 =	vld [tilespmem:s20+$0x9960]  }
0x91: {  	s21 =	simm.s32 $0x40;
	v6 =	vadd.f32 v6, v7;
	v5 =	vld [tilespmem:s20+$0x6770];
	[tilespmem:s20+$0x16140] =	vst v1  }
0x92: {  	s6 =	simm.s32 $0x200;
	v7 =	vadd.f32 v8, v7;
	v1 =	vld [tilespmem:s21+$0x19370]  }
.LBB2_5:
0x93: {  	p0 =	sne.s32 s6, $0xC700;
	v8 =	vld [tilespmem:s21+$0x9970];
	[tilespmem:s20+$0x12F50] =	vst v6  }
0x94: {  	v6 =	vld [tilespmem:s21+$0x19340];
	[tilespmem:s20+$0x16150] =	vst v7;
	v3 =	vadd.f32 v3, v2  }
0x95: {  	v7 =	vld [tilespmem:s21+$0x6740];
	v2 =	vadd.f32 v4, v2  }
0x96: {  	v4 =	vld [tilespmem:s21+$0x9940];
	[tilespmem:s20+$0x12F60] =	vst v3;
	v3 =	vadd.f32 v5, v0  }
0x97: {  	v9 =	vld [tilespmem:s21+$0x19350];
	[tilespmem:s20+$0x16160] =	vst v2;
	v0 =	vmov v1  }
0x98: {  	v1 =	vld [tilespmem:s21+$0x6750];
	v5 =	vadd.f32 v8, v0;
	[tilespmem:s20+$0x12F70] =	vst v3;
	s20 =	smov.u32 s21  }
0x99: {  	v8 =	vld [tilespmem:s20+$0x9950]  }
.Ltmp1:
0x9a: {  	v7 =	vadd.f32 v7, v6;
	v2 =	vld [tilespmem:s20+$0x19360];
	[tilespmem:s20+$0x16170] =	vst v5;
	(pc) =	sbr.rel @p0 .LBB2_5-.Ltmp1, $4  }
0x9b: {  	v5 =	vadd.f32 v4, v6;
	v3 =	vld [tilespmem:s20+$0x6760]  }
0x9c: {  	[tilespmem:s20+$0x12F40] =	vst v7;
	v4 =	vld [tilespmem:s20+$0x9960]  }
0x9d: {  	s21 =	sshra.s32 s6, $0x2;
	[tilespmem:s20+$0x16140] =	vst v5;
	v6 =	vadd.f32 v1, v9;
	v5 =	vld [tilespmem:s20+$0x6770]  }
0x9e: {  	s6 =	sadd.s32 $0x100, s6;
	v1 =	vld [tilespmem:s21+$0x19370];
	v7 =	vadd.f32 v8, v9  }
0x9f: {  	v8 =	vld [tilespmem:s21+$0x9970];
	[tilespmem:s20+$0x12F50] =	vst v6  }
0xa0: {  	v6 =	vld [tilespmem:s21+$0x19340];
	[tilespmem:s20+$0x16150] =	vst v7;
	v3 =	vadd.f32 v3, v2  }
0xa1: {  	v7 =	vld [tilespmem:s21+$0x6740];
	v55 =	vadd.f32 v4, v2  }
0xa2: {  	v9 =	vld [tilespmem:s21+$0x9940];
	[tilespmem:s20+$0x12F60] =	vst v3;
	v0 =	vadd.f32 v5, v0  }
0xa3: {  	v3 =	vld [tilespmem:s21+$0x19350];
	[tilespmem:s20+$0x16160] =	vst v55  }
0xa4: {  	v2 =	vld [tilespmem:s21+$0x6750];
	[tilespmem:s20+$0x12F70] =	vst v0  }
0xa5: {  	v57 =	vld [tilespmem:s21+$0x9950]  }
0xa6: {  	v58 =	vld [tilespmem:s21+$0x19360]  }
0xa7: {  	v56 =	vadd.f32 v8, v1;
	v59 =	vld [tilespmem:s21+$0x6760]  }
0xa8: {  	v60 =	vld [tilespmem:s21+$0x9960];
	v7 =	vadd.f32 v7, v6  }
0xa9: {  	v61 =	vld [tilespmem:s21+$0x6770];
	[tilespmem:s21+$0x16170] =	vst v56;
	v6 =	vadd.f32 v9, v6  }
0xaa: {  	[tilespmem:s21+$0x12F40] =	vst v7;
	v2 =	vadd.f32 v2, v3  }
0xab: {  	s18 =	sadd.s32 $0x1, s18;
	[tilespmem:s21+$0x16140] =	vst v6;
	v3 =	vadd.f32 v57, v3  }
0xac: {  	s6 =	sshll.u32 s19, $0x1;
	p0 =	sne.s32 s18, $0x20;
	v0 =	vadd.f32 v59, v58;
	[tilespmem:s21+$0x12F50] =	vst v2  }
.Ltmp2:
0xad: {  	s6 =	sadd.s32 s9, s6;
	v62 =	vadd.f32 v60, v58;
	[tilespmem:s21+$0x16150] =	vst v3;
	(pc) =	sbr.rel @p0 .LBB2_2-.Ltmp2, $4  }
0xae: {  	s6 =	smul.u32 $0x640, s6;
	v63 =	vadd.f32 v61, v1;
	[tilespmem:s21+$0x12F60] =	vst v0  }
0xaf: {  	[tilespmem:s21+$0x16160] =	vst v62  }
0xb0: {  	s6 =	sadd.s32 s2, s6;
	[tilespmem:s21+$0x12F70] =	vst v63  }
0xb1: {  	[hbm4b:s6+s3] =	stream.linear.scatter [tilespmem:s12], [sflag:$0x4], $0x6400, $0x38;
	[tilespmem:$0x1C540] =	vst v63  }
0xb2: {  	s17 =	sadd.s32 $0x1, s17  }
0xb3: {  	_ =	swait.ge [sflag:s15], $0x6400;
	p0 =	sne.s32 s17, s11  }
.Ltmp3:
0xb4: {  	[sflag:s15] =	ssyncset.done $0x0;
	(pc) =	sbr.rel @p0 .LBB2_1-.Ltmp3, $4  }
0xb5: {  	[sflag:s15] =	ssyncadd.s32 $0xFFFF9C00  }
0xb6: {  	_ =	swait.ge [sflag:s16], $0x6400  }
0xb7: {  	[sflag:s16] =	ssyncset.done $0x0  }
0xb8: {  	[sflag:s16] =	ssyncadd.s32 $0xFFFF9C00  }
0xb9: {  	_ =	sfence.sel $0x180000  }
0xba: {  	[bflag:$0x0] =	sbarrier.arrive $0xFFFF  }
0xbb: {  	_ =	strace $0x90000047  }
0xbc: {  	s0 =	stileid.u32;
	[bflag:$0x2] =	sbarrier.arrive $0xFFFF  }
0xbd: {  	p0 =	sne.s32 s0, $0x0;
	s0 =	rddreg [dreg:$0x2]  }
0xbe: {  	s0 =	sadd.s32 @!p0 $0x100000, s0  }
0xbf: {  	[sflag:s0] =	ssyncadd.tile.s32 @!p0 $0x1;
	_ =	shalt  }
.Lfunc_end2:
_tile_overlayer_lowered:
.L_overlay_start_2:
0xc0: {  	(tag) =	ssettag $0x2  }
0xc1: {  	s0 =	rddreg [dreg:$0x0];
	s2 =	stileid.u32  }
0xc2: {  	s1 =	rddreg [dreg:$0x1];
	p0 =	sne.s32 s2, $0x0  }
0xc3: {  	s3 =	rddreg [dreg:$0x2];
	[bflag:$0x3] =	sbarrier.arrive $0xFFFF;
	s2 =	simm.s32 @!p0 $0x1C05  }
0xc4: {  	[timem:s3], [sflag:s2] =	dma.local @!p0 [hbm:s0], s1  }
0xc5: {  	s0 =	simm.s32 @!p0 $0x5  }
0xc6: {  	_ =	swait.ge @!p0 [sflag:s0], s1  }
0xc7: {  	s1 =	ssub.s32 @!p0 $0x0, s1;
	[sflag:s0] =	ssyncset.done @!p0 $0x0  }
0xc8: {  	[sflag:s0] =	ssyncadd.s32 @!p0 s1  }
0xc9: {  	[bflag:$0x3] =	sbarrier.arrive $0xFFFF  }
0xca: {  	_ =	shalt  }

// kernel: sparse-core-data-format-call.cloned.1.call-start
scs
called_computation_lowered:
.L_overlay_start_0:
0x0: {  	s2 =	sld [smem:$0x3FD9]  }
0x1: {  	s3 =	sld [smem:$0x3FFE];
	_ =	sdelay $0x1  }
0x2: {  	s1 =	srdreg.scid  }
0x3: {  	s0 =	sand.u32 $0x1, s1  }
0x4: {  	s18 =	sshll.u32 s0, $0xA;
	s2 =	sadd.s32 s3, s2  }
0x5: {  	s2 =	sadd.s32 s2, s18  }
0x6: {  	[smem:$0x3FC5] =	sst s2  }
0x7: {  	_ = 	snop  }
0x8: {  	s2 =	sld [smem:$0x3FD0];
	(tm) =	ssettm $0x1  }
0x9: {  	s19 =	sld [smem:$0x3FFB];
	_ =	sdelay $0x3  }
0xa: {  	_ =	strace s19  }
0xb: {  	s3 =	sld [smem:$0x3FFC];
	_ =	sdelay $0x3  }
0xc: {  	_ =	strace s3  }
0xd: {  	s3 =	sld [smem:$0x3FFD];
	_ =	sdelay $0x3  }
0xe: {  	_ =	strace s3  }
0xf: {  	_ =	strace $0x8FFFFFFF  }
0x10: {  	s20 =	sld [smem:$0x3FDB];
	_ =	sdelay $0x1  }
0x11: {  	s4 =	simm.s32 $_scs_section_size  }
0x12: {  	s5 =	simm.s32 $_size__tile_overlayer_lowered;
	s6 =	simm.s32 $_tile_overlayer_lowered  }
0x13: {  	s23 =	simm.s32 $0x1BFF;
	s22 =	sshll.u32 s6, $0x1;
	s3 =	sadd.s32 s4, s20  }
0x14: {  	s7 =	simm.s32 $0x0;
	s21 =	sshll.u32 s5, $0x1;
	s5 =	sadd.s32 s22, s3  }
0x15: {  	[timem:s7], [sflag:s23] =	dma.local [hbm:s5], s21  }
0x16: {  	_ =	swait.ge [sflag:s23], s21  }
0x17: {  	s4 =	ssub.s32 $0x0, s21;
	[sflag:s23] =	ssyncset.done $0x0  }
0x18: {  	[sflag:s23] =	ssyncadd.s32 s4;
	_ =	sdelay $0x1  }
0x19: {  	s24 =	simm.s32 $0x1B8B  }
0x1a: {  	_ =	swait.ge [sflag:s24], $0x1  }
0x1b: {  	[sflag:s24] =	ssyncset.done $0x0  }
0x1c: {  	s26 =	simm.s32 $0x1B8E;
	s25 =	sld [smem:$0x3FFE];
	[sflag:s24] =	ssyncadd.s32 $0xFFFFFFFF  }
0x1d: {  	s27 =	simm.s32 $execute0_lowered;
	[smem:$0x3FD2] =	sst s26  }
0x1e: {  	s5 =	sshll.u32 s27, $0x1;
	_ =	strace $0x80000049;
	[dreg:$0x1] =	wrdreg $0xFFFFFFFF  }
0x1f: {  	s28 =	simm.s32 $_size_execute0_lowered;
	s3 =	sadd.s32 s3, s5;
	[dreg:$0x0] =	wrdreg $0x0  }
0x20: {  	s5 =	sshll.u32 s28, $0x1;
	[dreg:$0x2] =	wrdreg s3  }
0x21: {  	[dreg:$0x3] =	wrdreg s5  }
0x22: {  	[dreg:$0x4] =	wrdreg $0xC0  }
0x23: {  	_ =	task [dreg:s7], $0x5FFFF  }
0x24: {  	[dreg:$0x1] =	wrdreg $0xFFFFFFFF  }
0x25: {  	[dreg:$0x0] =	wrdreg $0x60  }
0x26: {  	[dreg:$0x2] =	wrdreg s25  }
0x27: {  	[dreg:$0x3] =	wrdreg s2  }
0x28: {  	[dreg:$0x4] =	wrdreg $0x9  }
0x29: {  	_ =	task.clear_ibuf [dreg:s7], $0x5FFFF;
	_ =	strace $0x90000049  }
0x2a: {  	s29 =	simm.s32 $0x9;
	_ =	strace $0x8000004B  }
0x2b: {  	_ =	swait.ge [sflag:s29], $0x1  }
0x2c: {  	[sflag:s29] =	ssyncadd.s32 $0xFFFFFFFF  }
0x2d: {  	_ =	strace $0x9000004B  }
0x2e: {  	_ =	sfence  }
0x2f: {  	s30 =	sld [smem:$0x0];
	_ =	sdelay $0x2  }
0x30: {  	s31 =	sshll.u32 s1, $0xD;
	s1 =	sshrl.u32 s1, $0x2  }
0x31: {  	s3 =	sand.u32 $0x4000, s31;
	s1 =	sadd.s32 s1, s30  }
0x32: {  	s0 =	sor.u32 s3, s0;
	s1 =	sshll.u32 s1, $0x11  }
0x33: {  	s0 =	sor.u32 s1, s0  }
0x34: {  	s0 =	sadd.s32 $0x8F2B, s0  }
0x35: {  	[sflag:s0] =	ssyncadd.remote.s32 $0x1  }
0x36: {  	_ =	sfence.sel $0xFFFF  }
0x37: {  	[dreg:$0x0] =	wrdreg $0xFFFFFFFF;
	(pc) =	sbr.abs _section_cstart, $3  }
0x38: {  	[dreg:$0x1] =	wrdreg $0xFFFFFFFF  }
0x39: {  	_ =	task.clear_ibuf [dreg:s7], $0x2FFFF;
	_ =	strace $0x9FFFFFFF  }
0x3a: {  	(tm) =	ssettm $0x7FFFFFFF  }
0x3b: {  	_ =	shalt  }
tec
execute0_lowered:
.L_overlay_start_1:
0x0: {  	(tag) =	ssettag $0x1  }
0x1: {  	s0 =	srdreg.scid  }
0x2: {  	s1 =	sshll.u32 s0, $0x4  }
0x3: {  	s0 =	stileid.u32;
	s1 =	sand.u32 $0x10, s1  }
0x4: {  	s1 =	sor.u32 s0, s1  }
0x5: {  	s6 =	rddreg [dreg:$0x0];
	s4 =	simm.s32 $0x1;
	s2 =	sshll.u32 s1, $0x7  }
0x6: {  	s7 =	simm.s32 $0x2;
	s12 =	simm.s32 $0x0;
	s1 =	ssub.s32 $0x1000, s2  }
0x7: {  	s8 =	simm.s32 $0x8000;
	s13 =	simm.s32 $0x0;
	s3 =	sand.u32 $0xF80, s1  }
0x8: {  	s9 =	simm.s32 $0x0;
	s5 =	sshrl.u32 s1, $0xC;
	p0 =	sne.s32 s3, $0x0  }
.Ltmp0:
0x9: {  	s1 =	rddreg [dreg:$0x2];
	s4 =	simm.s32 @!p0 $0x0;
	(pc) =	sbr.rel .LBB1_1-.Ltmp0, $4  }
0xa: {  	s11 =	simm.s32 $0x0;
	s3 =	rddreg [dreg:$0x1];
	s5 =	sadd.s32 s4, s5  }
0xb: {  	_ =	strace $0x8000004A;
	s4 =	simm.s32 $0x1;
	s5 =	smul.u32 $0xC8, s5  }
0xc: {  	s6 =	sadd.s32 $0x800, s6;
	s10 =	smov.u32 s2;
	[sflag:s4] =	ssyncpa.u1 $0x0  }
0xd: {  	p0 =	por $0x0, $0x0;
	[sflag:s7] =	ssyncpa.u1 $0x0;
	s7 =	sor.u32 $0x1, s5  }
.LBB1_4:
0xe: {  	s16 =	sshll.u32 s13, $0x3;
	s17 =	sand.u32 $0x78, s13  }
0xf: {  	s30 =	sand.u32 $0x7E00, s13;
	s12 =	sshll.u32 s12, $0xF;
	s16 =	sand.u32 $0xC00, s16  }
0x10: {  	[tilespmem:s15+$0x810 ss:$0x81] =	vst.msk $0xffff, v2;
	s31 =	sand.u32 $0x7, s13;
	s16 =	sor.u32 s17, s16;
	s17 =	sadd.s32 s3, s30  }
0x11: {  	[tilespmem:s15+$0x1020 ss:$0x81] =	vst.msk $0xffff, v0;
	s13 =	sshll.u32 s31, $0x12;
	s12 =	sadd.s32 s12, s17;
	s16 =	sshrl.u32 s16, $0x3  }
0x12: {  	[tilespmem:s15+$0x0 ss:$0x81] =	vst.msk $0xffff, v1;
	s13 =	sor.u32 $0x400, s13;
	s12 =	sadd.s32 s16, s12  }
0x13: {  	[hbm4b:s12+s13] =	stream.strided.scatter [tilespmem:s14], [sflag:$0x2], $0x2000, s8, s13, $0x20;
	[tilespmem:$0x8080] =	vst v63  }
.LBB1_5:
0x14: {  	s14 =	sadd.s32 $0x1, s9  }
0x15: {  	s12 =	sadd.s32 $0x1000, s10;
	s16 =	smov.u32 s10;
	p2 =	sgt.s32 s14, $0xC7  }
0x16: {  	s16 =	smov.u32 @p2 s12  }
0x17: {  	s14 =	simm.s32 @p2 $0x0;
	p2 =	sgt.s32 s16, $0xFFF  }
0x18: {  	s16 =	smov.u32 @p2 s2;
	p2 =	sne.s32 s11, s7  }
.Ltmp1:
0x19: {  	p1 =	slt.u32 s11, $0x2;
	(pc) =	sbr.rel @!p2 .LBB1_6-.Ltmp1, $4  }
0x1a: {  	s15 =	simm.s32 @!p1 $0x2  }
0x1b: {  	s13 =	smov.u32 s10;
	p0 =	por !p0, !p0;
	_ =	swait.ge @!p1 [sflag:s15], $0x2000  }
0x1c: {  	s12 =	smov.u32 s9;
	[sflag:s15] =	ssyncset.done @!p1 $0x0;
	s9 =	smov.u32 s14  }
0x1d: {  	s11 =	sadd.s32 $0x1, s11;
	[sflag:s15] =	ssyncadd.s32 @!p1 $0xFFFFE000;
	s10 =	smov.u32 s16  }
.LBB1_1:
0x1e: {  	p1 =	sge.u32 s11, s5  }
0x1f: {  	s14 =	sand.u32 @!p1 $0x1FFFFFF, s9  }
0x20: {  	s15 =	smulhi.u32 @!p1 $0x147AE15, s14;
	_ =	sdelay $0x1  }
0x21: {  	s15 =	smul.u32 @!p1 $0xC8, s15  }
0x22: {  	s16 =	sxor.u32 @!p1 $0xFFFFFFFF, s11;
	s17 =	smul.u32 @!p1 $0xC80, s10  }
0x23: {  	s31 =	sadd.s32 $0xFFFFFFFF, s11;
	s16 =	sshll.u32 @!p1 s16, $0xD;
	s14 =	ssub.s32 @!p1 s14, s15  }
0x24: {  	s15 =	sand.u32 @!p1 $0x2000, s16;
	s16 =	sadd.s32 @!p1 s6, s17;
	s14 =	sshll.u32 @!p1 s14, $0x4  }
0x25: {  	s17 =	simm.s32 @!p1 $0x6400;
	s14 =	sadd.s32 @!p1 s14, s16;
	s16 =	simm.s32 @!p1 $0x40  }
0x26: {  	[tilespmem:s15], [sflag:$0x1] =	stream.strided.gather @!p1 [hbm4b:s14+s16], $0x2000, s17, s16, $0x38;
	[tilespmem:$0x8080] =	vst v63  }
0x27: {  	p1 =	sge.u32 s31, s5  }
.Ltmp2:
0x28: {  	_ = 	snop;
	(pc) =	sbr.rel @p1 .LBB1_5-.Ltmp2, $1  }
0x29: {  	_ =	sdelay $0x3  }
0x2a: {  	s14 =	simm.s32 $0x1  }
0x2b: {  	_ =	swait.ge [sflag:s4], $0x2000;
	s14 =	simm.s32 @!p0 $0x0  }
0x2c: {  	[sflag:s4] =	ssyncset.done $0x0;
	s15 =	sshll.u32 s14, $0xD  }
0x2d: {  	[sflag:s4] =	ssyncadd.s32 $0xFFFFE000;
	s18 =	sor.u32 $0x20, s15  }
0x2e: {  	s14 =	smul.u32 $0x8100, s14;
	v3 =	vld [tilespmem:s18+$0x10]  }
0x2f: {  	s30 =	sand.u32 $0x1, s11;
	v2 =	vld [tilespmem:s18+$0xFFFFFFF0]  }
0x30: {  	s15 =	smul.u32 $0x8100, s30;
	s14 =	sshrl.u32 s14, $0x2;
	v0 =	vld [tilespmem:s18+$0x0]  }
0x31: {  	v1 =	vld [tilespmem:s18+$0xFFFFFFE0];
	s16 =	sor.u32 $0x4000, s14  }
0x32: {  	s31 =	sshrl.u32 s15, $0x2;
	s15 =	sadd.s32 $0x0, s16  }
0x33: {  	s17 =	simm.s32 $0x4;
	s18 =	sadd.s32 $0x40, s18;
	s14 =	sor.u32 $0x4000, s31;
	[tilespmem:s15+$0x1830 ss:$0x81] =	vst.msk $0xffff, v3  }
.LBB1_3:
0x34: {  	v3 =	vld [tilespmem:s18+$0x10];
	p1 =	sne.s32 s17, $0x1FC;
	[tilespmem:s15+$0x810 ss:$0x81] =	vst.msk $0xffff, v2;
	s19 =	smov.u32 s17;
	s17 =	sadd.s32 $0x4, s17  }
.Ltmp3:
0x35: {  	v2 =	vld [tilespmem:s18+$0xFFFFFFF0];
	[tilespmem:s15+$0x1020 ss:$0x81] =	vst.msk $0xffff, v0;
	(pc) =	sbr.rel @p1 .LBB1_3-.Ltmp3, $4  }
0x36: {  	v0 =	vld [tilespmem:s18+$0x0];
	[tilespmem:s15+$0x0 ss:$0x81] =	vst.msk $0xffff, v1  }
0x37: {  	s15 =	sshra.s32 s19, $0x2;
	v1 =	vld [tilespmem:s18+$0xFFFFFFE0]  }
0x38: {  	s15 =	sadd.s32 s15, s16  }
0x39: {  	s18 =	sadd.s32 $0x40, s18;
	[tilespmem:s15+$0x1830 ss:$0x81] =	vst.msk $0xffff, v3  }
.Ltmp4:
0x3a: {  	_ = 	snop;
	(pc) =	sbr.rel .LBB1_4-.Ltmp4, $1  }
0x3b: {  	_ =	sdelay $0x3  }
.LBB1_6:
0x3c: {  	_ =	sfence.sel $0x180000  }
0x3d: {  	s2 =	simm.s32 $0x1;
	[bflag:$0x0] =	sbarrier.arrive $0xFFFF  }
0x3e: {  	s31 =	simm.s32 $0x2;
	[sflag:s2] =	ssyncpa.u1 $0x1  }
0x3f: {  	[sflag:s31] =	ssyncpa.u1 $0x1  }
0x40: {  	p0 =	sne.s32 s0, $0x0;
	_ =	strace $0x9000004A  }
0x41: {  	s0 =	sadd.s32 @!p0 $0x100000, s1;
	[bflag:$0x2] =	sbarrier.arrive $0xFFFF  }
0x42: {  	[sflag:s0] =	ssyncadd.tile.s32 @!p0 $0x1;
	_ =	shalt  }
.Lfunc_end1:
_tile_overlayer_lowered:
.L_overlay_start_2:
0x43: {  	(tag) =	ssettag $0x2  }
0x44: {  	s0 =	rddreg [dreg:$0x0];
	s2 =	stileid.u32  }
0x45: {  	s1 =	rddreg [dreg:$0x1];
	p0 =	sne.s32 s2, $0x0  }
0x46: {  	s3 =	rddreg [dreg:$0x2];
	[bflag:$0x3] =	sbarrier.arrive $0xFFFF;
	s2 =	simm.s32 @!p0 $0x1C01  }
0x47: {  	[timem:s3], [sflag:s2] =	dma.local @!p0 [hbm:s0], s1  }
0x48: {  	s0 =	simm.s32 @!p0 $0x1  }
0x49: {  	_ =	swait.ge @!p0 [sflag:s0], s1  }
0x4a: {  	s1 =	ssub.s32 @!p0 $0x0, s1;
	[sflag:s0] =	ssyncset.done @!p0 $0x0  }
0x4b: {  	[sflag:s0] =	ssyncadd.s32 @!p0 s1  }
0x4c: {  	[bflag:$0x3] =	sbarrier.arrive $0xFFFF  }
0x4d: {  	_ =	shalt  }

</sc_bundles>
